<compile_context>
chip_gen: v7x
topology: tpu7x:2x2x1
jax: 0.10.2.dev20260603
libtpu: 0.0.44.dev20260713+nightly
codegen_flags: <defaults>
</compile_context>

<pallas_src>
import functools

import jax
import jax.numpy as jnp
from jax import lax
from jax.experimental import pallas as pl
from jax.experimental.pallas import tpu as pltpu
from jax.experimental.pallas import tpu_sc as plsc

_BLK = 4000
_K = 800
_KB = 1000
_NSUB = 16
_NCORE = 2


def _embed_body(x_ref, w_ref, b_ref, out_ref):
    z = jnp.dot(x_ref[...], w_ref[...], preferred_element_type=jnp.float32)
    z = z + b_ref[...]
    blk, d = z.shape
    z3 = z.reshape(blk // 8, 8, d)
    pad = jnp.zeros((blk // 8, 8, 128 - d), jnp.float32)
    out_ref[...] = jnp.concatenate([z3, pad], axis=2)


def _embed(x, w, b2d, npad):
    n, f = x.shape
    grid = n // _BLK
    return pl.pallas_call(
        _embed_body,
        grid=(grid,),
        in_specs=[
            pl.BlockSpec((_BLK, f), lambda i: (i, 0)),
            pl.BlockSpec((f, w.shape[1]), lambda i: (0, 0)),
            pl.BlockSpec((1, w.shape[1]), lambda i: (0, 0)),
        ],
        out_specs=pl.BlockSpec((_BLK // 8, 8, 128), lambda i: (i, 0, 0)),
        out_shape=jax.ShapeDtypeStruct((npad // 8, 8, 128), jnp.float32),
    )(x, w, b2d)


_SC_MESH = dict(core_axis_name="c", subcore_axis_name="s")


def _sc_segment_sum_a(zs2, ei, zero16):
    hd = zs2.shape[1]
    npad = zero16.shape[0]
    e = ei.shape[1]
    ea_per_s = e // _NSUB
    nr = npad // _NSUB

    @functools.partial(
        pl.kernel,
        out_type=jax.ShapeDtypeStruct((npad, 8, hd), jnp.float32),
        mesh=plsc.VectorSubcoreMesh(**_SC_MESH),
        compiler_params=pltpu.CompilerParams(use_tc_tiling_on_sc=False),
        scratch_types=[
            pltpu.VMEM_SHARED((npad, hd), jnp.float32),
            pltpu.VMEM((_K,), jnp.int32),
            pltpu.VMEM((_K,), jnp.int32),
            pltpu.VMEM((_K, hd), jnp.float32),
            pltpu.SemaphoreType.DMA,
        ],
    )
    def sc_kernel(zs_hbm, ei_hbm, z16_hbm, outa_hbm,
                  acc_a, gidx_v, sidx_v, rows_v, sem):
        c = lax.axis_index("c")
        s = lax.axis_index("s")

        pltpu.sync_copy(z16_hbm.at[pl.ds(s * nr, nr)],
                        acc_a.at[pl.ds(s * nr, nr)])
        plsc.subcore_barrier()

        base_a = s * ea_per_s

        def a_body(i, carry):
            off = base_a + i * _K
            pltpu.sync_copy(ei_hbm.at[0, pl.ds(off, _K)], gidx_v)
            pltpu.sync_copy(ei_hbm.at[1, pl.ds(off, _K)], sidx_v)

            def bump_body(j, carry2):
                sl = pl.ds(j * 16, 16)
                gidx_v[sl] = gidx_v[sl] * 8 + c
                return carry2

            lax.fori_loop(0, _K // 16, bump_body, 0)
            pltpu.async_copy(zs_hbm.at[gidx_v], rows_v, sem).wait()
            pltpu.sync_copy(rows_v, acc_a.at[sidx_v], add=True)
            return carry

        lax.fori_loop(0, ea_per_s // _K, a_body, 0)
        plsc.subcore_barrier()
        pltpu.sync_copy(acc_a.at[pl.ds(s * nr, nr)],
                        outa_hbm.at[pl.ds(s * nr, nr), c])

    return sc_kernel(zs2, ei, zero16)


def _sc_segment_sum_b(ei, edge_attr, zero8):
    npad, w8 = zero8.shape
    e = ei.shape[1]
    de = edge_attr.shape[1]
    eb_per_w = e // (_NSUB * _NCORE)
    nr = npad // _NSUB

    @functools.partial(
        pl.kernel,
        out_type=jax.ShapeDtypeStruct((npad, 8, 2 * w8), jnp.float32),
        mesh=plsc.VectorSubcoreMesh(**_SC_MESH),
        compiler_params=pltpu.CompilerParams(use_tc_tiling_on_sc=False),
        scratch_types=[
            pltpu.VMEM_SHARED((npad, w8), jnp.float32),
            pltpu.VMEM((_KB,), jnp.int32),
            pltpu.VMEM((_KB, w8), jnp.float32),
        ],
    )
    def sc_kernel(ei_hbm, attr_hbm, z8_hbm, outb_hbm,
                  acc_b, sidx_v, attr_v):
        c = lax.axis_index("c")
        s = lax.axis_index("s")

        pltpu.sync_copy(z8_hbm.at[pl.ds(s * nr, nr)],
                        acc_b.at[pl.ds(s * nr, nr)])
        pltpu.sync_copy(z8_hbm.at[pl.ds(0, _KB)], attr_v)
        plsc.subcore_barrier()

        base_b = c * (e // 2) + s * eb_per_w

        def b_body(i, carry):
            off = base_b + i * _KB
            pltpu.sync_copy(attr_hbm.at[pl.ds(off, _KB)],
                            attr_v.at[:, pl.ds(0, de)])
            pltpu.sync_copy(ei_hbm.at[1, pl.ds(off, _KB)], sidx_v)
            pltpu.sync_copy(attr_v, acc_b.at[sidx_v], add=True)
            return carry

        lax.fori_loop(0, eb_per_w // _KB, b_body, 0)
        plsc.subcore_barrier()
        pltpu.sync_copy(acc_b.at[pl.ds(s * nr, nr)],
                        outb_hbm.at[pl.ds(s * nr, nr), c, pl.ds(0, w8)])

    return sc_kernel(ei, edge_attr, zero8)


def _final_body(zs_ref, as_ref, bs_ref,
                wself_ref, wneigh_ref, wedge_ref, bh_ref,
                wselfs_ref, wneighs_ref, wedges_ref, bs2_ref,
                s_out_ref, pool_ref):
    blk = s_out_ref.shape[0]
    z = zs_ref[:, :, :32].reshape(blk, 32)
    a = as_ref[:, :, :32].reshape(blk, 32)
    b0 = bs_ref[:, :, 0:8].reshape(blk, 8)
    b1 = bs_ref[:, :, 16:24].reshape(blk, 8)
    b = b0 + b1
    h = (jnp.dot(z, wself_ref[...], preferred_element_type=jnp.float32)
         + jnp.dot(a, wneigh_ref[...], preferred_element_type=jnp.float32)
         + jnp.dot(b, wedge_ref[...], preferred_element_type=jnp.float32)
         + bh_ref[...])
    h = jnp.maximum(h, 0.0)
    sl = (jnp.dot(z, wselfs_ref[...], preferred_element_type=jnp.float32)
          + jnp.dot(a, wneighs_ref[...], preferred_element_type=jnp.float32)
          + jnp.dot(b, wedges_ref[...], preferred_element_type=jnp.float32)
          + bs2_ref[...])
    m = jnp.max(sl, axis=1, keepdims=True)
    ex = jnp.exp(sl - m)
    s = ex / jnp.sum(ex, axis=1, keepdims=True)
    s_out_ref[...] = s
    part = lax.dot_general(s, h, (((0,), (0,)), ((), ())),
                           preferred_element_type=jnp.float32)

    @pl.when(pl.program_id(0) == 0)
    def _():
        pool_ref[...] = jnp.zeros_like(pool_ref)

    pool_ref[...] += part


def _final(n, zs3, as3, bs3, wself, wneigh, wedge, bh2,
           wselfs, wneighs, wedges, bs2):
    d = wself.shape[0]
    de = wedge.shape[0]
    hdim = wself.shape[1]
    c = wselfs.shape[1]
    grid = n // _BLK
    p8 = _BLK // 8
    return pl.pallas_call(
        _final_body,
        grid=(grid,),
        in_specs=[
            pl.BlockSpec((p8, 8, 128), lambda i: (i, 0, 0)),
            pl.BlockSpec((p8, 8, 128), lambda i: (i, 0, 0)),
            pl.BlockSpec((p8, 8, 128), lambda i: (i, 0, 0)),
            pl.BlockSpec((d, hdim), lambda i: (0, 0)),
            pl.BlockSpec((d, hdim), lambda i: (0, 0)),
            pl.BlockSpec((de, hdim), lambda i: (0, 0)),
            pl.BlockSpec((1, hdim), lambda i: (0, 0)),
            pl.BlockSpec((d, c), lambda i: (0, 0)),
            pl.BlockSpec((d, c), lambda i: (0, 0)),
            pl.BlockSpec((de, c), lambda i: (0, 0)),
            pl.BlockSpec((1, c), lambda i: (0, 0)),
        ],
        out_specs=[
            pl.BlockSpec((_BLK, c), lambda i: (i, 0)),
            pl.BlockSpec((c, hdim), lambda i: (0, 0)),
        ],
        out_shape=[
            jax.ShapeDtypeStruct((n, c), jnp.float32),
            jax.ShapeDtypeStruct((c, hdim), jnp.float32),
        ],
    )(zs3, as3, bs3, wself, wneigh, wedge, bh2, wselfs, wneighs,
      wedges, bs2)


def kernel(x_note, edge_index, edge_attr, W_embed, b_embed,
           W_self, W_neigh, W_edge, b_h,
           W_self_s, W_neigh_s, W_edge_s, b_s):
    n = x_note.shape[0]
    npad = ((n + 127) // 128) * 128
    ei = edge_index.astype(jnp.int32)

    zs3 = _embed(x_note.astype(jnp.float32), W_embed,
                 b_embed.reshape(1, -1), npad)
    zs2 = zs3.reshape(8 * npad, 16)

    w_edge8 = jnp.pad(W_edge, ((0, 4), (0, 0)))
    w_edge_s8 = jnp.pad(W_edge_s, ((0, 4), (0, 0)))
    zero16 = jnp.zeros((npad, 16), jnp.float32)
    zero8 = jnp.zeros((npad, 8), jnp.float32)
    out_b = _sc_segment_sum_b(ei, edge_attr.astype(jnp.float32), zero8)
    out_a = _sc_segment_sum_a(zs2, ei, zero16)

    as3 = out_a.reshape(npad // 8, 8, 128)
    bs3 = out_b.reshape(npad // 8, 8, 128)

    s_1, x_pool = _final(n, zs3, as3, bs3, W_self, W_neigh, w_edge8,
                         b_h.reshape(1, -1), W_self_s, W_neigh_s, w_edge_s8,
                         b_s.reshape(1, -1))
    return (x_pool, s_1)

# --- scband reference (transcript-rebuilt; emitter-appended) ---
"""Pipeline reference for scband-group-mat-75153337745721 (READ-ONLY COPY).

The authoritative reference and input builder live on the scoring server;
editing this copy changes nothing except your own understanding.
"""

import jax, jax.numpy as jnp
import numpy as np

N = 100000   # n_nodes
E = 1600000  # n_edges
F = 128      # num_feature
D = 32       # embedding_dim
H = 256      # hidden_dim
C = 15       # num_classes (clusters)
DE = 4       # d_edge


def setup_inputs(seed: int = 0) -> dict:
    key = jax.random.key(seed)
    ks = [jax.random.fold_in(key, i) for i in range(16)]
    inp = {}
    inp['x_note'] = jax.random.normal(ks[0], (N, F), dtype=jnp.float32)
    inp['edge_index'] = jax.random.randint(ks[1], (2, E), 0, N, dtype=jnp.int64)
    inp['edge_attr'] = jax.random.normal(ks[2], (E, DE), dtype=jnp.float32)
    # learned parameters
    inp['W_embed'] = jax.random.normal(ks[3], (F, D), dtype=jnp.float32) * (1.0 / np.sqrt(F))
    inp['b_embed'] = jnp.zeros((D,), dtype=jnp.float32)
    # GNN_Cluster embedding branch (hetero message passing -> hidden)
    inp['W_self'] = jax.random.normal(ks[4], (D, H), dtype=jnp.float32) * (1.0 / np.sqrt(D))
    inp['W_neigh'] = jax.random.normal(ks[5], (D, H), dtype=jnp.float32) * (1.0 / np.sqrt(D))
    inp['W_edge'] = jax.random.normal(ks[6], (DE, H), dtype=jnp.float32) * (1.0 / np.sqrt(DE))
    inp['b_h'] = jnp.zeros((H,), dtype=jnp.float32)
    # GNN_Cluster assignment branch (-> num_classes clusters)
    inp['W_self_s'] = jax.random.normal(ks[7], (D, C), dtype=jnp.float32) * (1.0 / np.sqrt(D))
    inp['W_neigh_s'] = jax.random.normal(ks[8], (D, C), dtype=jnp.float32) * (1.0 / np.sqrt(D))
    inp['W_edge_s'] = jax.random.normal(ks[9], (DE, C), dtype=jnp.float32) * (1.0 / np.sqrt(DE))
    inp['b_s'] = jnp.zeros((C,), dtype=jnp.float32)
    return inp


def reference(x_note, edge_index, edge_attr, W_embed, b_embed,
              W_self, W_neigh, W_edge, b_h,
              W_self_s, W_neigh_s, W_edge_s, b_s):
    # linear_embed: num_feature -> embedding_dim
    z = x_note.astype(jnp.float32) @ W_embed + b_embed
    src = edge_index[0]
    dst = edge_index[1]
    # gnn_cluster1: message passing with edge attributes (memory-bound gather + scatter-add)
    z_src = jnp.take(z, src, axis=0)                      # gather [E, D]
    msg = z_src @ W_neigh + edge_attr @ W_edge            # [E, H]
    agg = jax.ops.segment_sum(msg, dst, num_segments=N)   # scatter-add [N, H]
    h = jax.nn.relu(z @ W_self + agg + b_h)               # [N, H]
    # assignment GNN -> soft cluster assignment S_1 [N, C]
    msg_s = z_src @ W_neigh_s + edge_attr @ W_edge_s      # [E, C]
    agg_s = jax.ops.segment_sum(msg_s, dst, num_segments=N)
    s_logits = z @ W_self_s + agg_s + b_s                 # [N, C]
    S_1 = jax.nn.softmax(s_logits, axis=-1)
    # cluster pooling: x' = S^T h  -> [C, H]
    x_pool = S_1.T @ h
    return (x_pool, S_1)

if __name__ == "__main__":
    import jax
    _d = setup_inputs()
    print(jax.jit(kernel)(*tuple(_d.values())))

</pallas_src>

<mosaic_0001>
#map = affine_map<(d0, d1) -> (0, 0)>
#map1 = affine_map<(d0, d1) -> (0, 0, 0)>
module attributes {stable_mosaic.version = 14 : i64} {
  func.func @sc_kernel(%arg0: i32, %arg1: i32, %arg2: memref<2x1600000xi32, #tpu.memory_space<hbm>>, %arg3: memref<1600000x4xf32, #tpu.memory_space<hbm>>, %arg4: memref<100096x8xf32, #tpu.memory_space<hbm>>, %arg5: memref<100096x8x16xf32, #tpu.memory_space<hbm>>, %arg6: memref<100096x8xf32, #tpu.memory_space<vmem_shared>>, %arg7: memref<1000xi32, #tpu.memory_space<vmem>>, %arg8: memref<1000x8xf32, #tpu.memory_space<vmem>>) attributes {dimension_semantics = [#tpu.dimension_semantics<core_parallel>, #tpu.dimension_semantics<subcore_parallel>], iteration_bounds = array<i64: 2, 16>, scalar_prefetch = 0 : i64, scratch_operands = 3 : i64, tpu.core_type = #tpu.core_type<sc_vector_subcore>, window_params = [{transform_indices = #map}, {transform_indices = #map}, {transform_indices = #map}, {transform_indices = #map1}]} {
    %mul3A = arith.constant 6256 : i32
    %mul3A_0 = arith.muli %arg1, %mul3A : i32
    %mul3A_1 = arith.constant 6256 : i32
    %mul3A_2 = arith.muli %arg1, %mul3A_1 : i32
    "tpu.region"() ({
      %run_scoped3A = tpu.sem_alloc : memref<!tpu.dma_semaphore, #tpu.memory_space<semaphore_mem>>
      %dma_start3A = arith.constant 0 : i32
      %dma_start3A_17 = tpu.memref_slice %arg6[%mul3A_2, %dma_start3A] : memref<100096x8xf32, #tpu.memory_space<vmem_shared>> -> memref<6256x8xf32, #tpu.memory_space<vmem_shared>>
      %dma_start3A_18 = arith.constant 0 : i32
      %dma_start3A_19 = tpu.memref_slice %arg4[%mul3A_0, %dma_start3A_18] : memref<100096x8xf32, #tpu.memory_space<hbm>> -> memref<6256x8xf32, #tpu.memory_space<hbm>>
      tpu.enqueue_dma source(%dma_start3A_19 : memref<6256x8xf32, #tpu.memory_space<hbm>>) target(%dma_start3A_17 : memref<6256x8xf32, #tpu.memory_space<vmem_shared>>) target_semaphore(%run_scoped3A : memref<!tpu.dma_semaphore, #tpu.memory_space<semaphore_mem>>)
      %dma_wait3A = arith.constant 0 : i32
      %dma_wait3A_20 = tpu.memref_slice %arg6[%mul3A_2, %dma_wait3A] : memref<100096x8xf32, #tpu.memory_space<vmem_shared>> -> memref<6256x8xf32, #tpu.memory_space<vmem_shared>>
      %dma_wait3A_21 = arith.constant 0 : i32
      %dma_wait3A_22 = tpu.memref_slice %arg4[%mul3A_0, %dma_wait3A_21] : memref<100096x8xf32, #tpu.memory_space<hbm>> -> memref<6256x8xf32, #tpu.memory_space<hbm>>
      tpu.wait_dma2 semaphore(%run_scoped3A : memref<!tpu.dma_semaphore, #tpu.memory_space<semaphore_mem>>) src(%dma_wait3A_22 : memref<6256x8xf32, #tpu.memory_space<hbm>>) dst(%dma_wait3A_20 : memref<6256x8xf32, #tpu.memory_space<vmem_shared>>)
      tpu.yield
    }) : () -> ()
    "tpu.region"() ({
      %run_scoped3A = tpu.sem_alloc : memref<!tpu.dma_semaphore, #tpu.memory_space<semaphore_mem>>
      %dma_start3A = arith.constant 0 : i32
      %dma_start3A_17 = arith.constant 0 : i32
      %dma_start3A_18 = tpu.memref_slice %arg4[%dma_start3A, %dma_start3A_17] : memref<100096x8xf32, #tpu.memory_space<hbm>> -> memref<1000x8xf32, #tpu.memory_space<hbm>>
      %dma_start3A_19 = arith.constant 0 : i32
      %dma_start3A_20 = arith.constant 0 : i32
      %dma_start3A_21 = tpu.memref_slice %arg4[%dma_start3A_19, %dma_start3A_20] : memref<100096x8xf32, #tpu.memory_space<hbm>> -> memref<1000x8xf32, #tpu.memory_space<hbm>>
      tpu.enqueue_dma source(%dma_start3A_21 : memref<1000x8xf32, #tpu.memory_space<hbm>>) target(%arg8 : memref<1000x8xf32, #tpu.memory_space<vmem>>) target_semaphore(%run_scoped3A : memref<!tpu.dma_semaphore, #tpu.memory_space<semaphore_mem>>)
      %dma_wait3A = arith.constant 0 : i32
      %dma_wait3A_22 = arith.constant 0 : i32
      %dma_wait3A_23 = tpu.memref_slice %arg4[%dma_wait3A, %dma_wait3A_22] : memref<100096x8xf32, #tpu.memory_space<hbm>> -> memref<1000x8xf32, #tpu.memory_space<hbm>>
      %dma_wait3A_24 = arith.constant 0 : i32
      %dma_wait3A_25 = arith.constant 0 : i32
      %dma_wait3A_26 = tpu.memref_slice %arg4[%dma_wait3A_24, %dma_wait3A_25] : memref<100096x8xf32, #tpu.memory_space<hbm>> -> memref<1000x8xf32, #tpu.memory_space<hbm>>
      tpu.wait_dma2 semaphore(%run_scoped3A : memref<!tpu.dma_semaphore, #tpu.memory_space<semaphore_mem>>) src(%dma_wait3A_26 : memref<1000x8xf32, #tpu.memory_space<hbm>>) dst(%arg8 : memref<1000x8xf32, #tpu.memory_space<vmem>>)
      tpu.yield
    }) : () -> ()
    %barrier3A = arith.constant 0 : index
    tpu.barrier barrier_id(%barrier3A)
    %mul3A_3 = arith.constant 800000 : i32
    %mul3A_4 = arith.muli %arg0, %mul3A_3 : i32
    %mul3A_5 = arith.constant 50000 : i32
    %mul3A_6 = arith.muli %arg1, %mul3A_5 : i32
    %add3A = arith.addi %mul3A_4, %mul3A_6 : i32
    %scan3A = arith.constant 0 : i32
    %scan3A_7 = arith.constant 0 : i32
    %scan3A_8 = arith.constant 50 : i32
    %scan3A_9 = arith.addi %scan3A_7, %scan3A_8 : i32
    %scan3A_10 = arith.constant 1 : i32
    scf.for %scan3A_17 = %scan3A_7 to %scan3A_9 step %scan3A_10  : i32 {
      %mul3A_18 = arith.constant 1000 : i32
      %mul3A_19 = arith.muli %scan3A_17, %mul3A_18 : i32
      %add3A_20 = arith.addi %add3A, %mul3A_19 : i32
      "tpu.region"() ({
        %run_scoped3A_21 = tpu.sem_alloc : memref<!tpu.dma_semaphore, #tpu.memory_space<semaphore_mem>>
        %dma_start3A = arith.constant 0 : i32
        %dma_start3A_22 = arith.constant 0 : i32
        %dma_start3A_23 = tpu.memref_slice %arg8[%dma_start3A, %dma_start3A_22] : memref<1000x8xf32, #tpu.memory_space<vmem>> -> memref<1000x4xf32, #tpu.memory_space<vmem>>
        %dma_start3A_24 = arith.constant 0 : i32
        %dma_start3A_25 = tpu.memref_slice %arg3[%add3A_20, %dma_start3A_24] : memref<1600000x4xf32, #tpu.memory_space<hbm>> -> memref<1000x4xf32, #tpu.memory_space<hbm>>
        %dma_start3A_26 = arith.constant 0 : i32
        %dma_start3A_27 = arith.constant 0 : i32
        %dma_start3A_28 = tpu.memref_slice %arg8[%dma_start3A_26, %dma_start3A_27] : memref<1000x8xf32, #tpu.memory_space<vmem>> -> memref<1000x4xf32, #tpu.memory_space<vmem>>
        %dma_start3A_29 = arith.constant 0 : i32
        %dma_start3A_30 = tpu.memref_slice %arg3[%add3A_20, %dma_start3A_29] : memref<1600000x4xf32, #tpu.memory_space<hbm>> -> memref<1000x4xf32, #tpu.memory_space<hbm>>
        tpu.enqueue_dma source(%dma_start3A_30 : memref<1000x4xf32, #tpu.memory_space<hbm>>) target(%dma_start3A_28 : memref<1000x4xf32, #tpu.memory_space<vmem>>) target_semaphore(%run_scoped3A_21 : memref<!tpu.dma_semaphore, #tpu.memory_space<semaphore_mem>>)
        %dma_wait3A = arith.constant 0 : i32
        %dma_wait3A_31 = arith.constant 0 : i32
        %dma_wait3A_32 = tpu.memref_slice %arg8[%dma_wait3A, %dma_wait3A_31] : memref<1000x8xf32, #tpu.memory_space<vmem>> -> memref<1000x4xf32, #tpu.memory_space<vmem>>
        %dma_wait3A_33 = arith.constant 0 : i32
        %dma_wait3A_34 = tpu.memref_slice %arg3[%add3A_20, %dma_wait3A_33] : memref<1600000x4xf32, #tpu.memory_space<hbm>> -> memref<1000x4xf32, #tpu.memory_space<hbm>>
        %dma_wait3A_35 = arith.constant 0 : i32
        %dma_wait3A_36 = arith.constant 0 : i32
        %dma_wait3A_37 = tpu.memref_slice %arg8[%dma_wait3A_35, %dma_wait3A_36] : memref<1000x8xf32, #tpu.memory_space<vmem>> -> memref<1000x4xf32, #tpu.memory_space<vmem>>
        %dma_wait3A_38 = arith.constant 0 : i32
        %dma_wait3A_39 = tpu.memref_slice %arg3[%add3A_20, %dma_wait3A_38] : memref<1600000x4xf32, #tpu.memory_space<hbm>> -> memref<1000x4xf32, #tpu.memory_space<hbm>>
        tpu.wait_dma2 semaphore(%run_scoped3A_21 : memref<!tpu.dma_semaphore, #tpu.memory_space<semaphore_mem>>) src(%dma_wait3A_39 : memref<1000x4xf32, #tpu.memory_space<hbm>>) dst(%dma_wait3A_37 : memref<1000x4xf32, #tpu.memory_space<vmem>>)
        tpu.yield
      }) : () -> ()
      %run_scoped3A = arith.constant 1 : i32
      "tpu.region"() ({
        %run_scoped3A_21 = tpu.sem_alloc : memref<!tpu.dma_semaphore, #tpu.memory_space<semaphore_mem>>
        %dma_start3A = tpu.memref_slice %arg2[%run_scoped3A, %add3A_20] : memref<2x1600000xi32, #tpu.memory_space<hbm>> -> memref<1x1000xi32, #tpu.memory_space<hbm>>
        %dma_start3A_22 = tpu.memref_squeeze %dma_start3A : memref<1x1000xi32, #tpu.memory_space<hbm>> -> memref<1000xi32, #tpu.memory_space<hbm>>
        %dma_start3A_23 = tpu.memref_slice %arg2[%run_scoped3A, %add3A_20] : memref<2x1600000xi32, #tpu.memory_space<hbm>> -> memref<1x1000xi32, #tpu.memory_space<hbm>>
        %dma_start3A_24 = tpu.memref_squeeze %dma_start3A_23 : memref<1x1000xi32, #tpu.memory_space<hbm>> -> memref<1000xi32, #tpu.memory_space<hbm>>
        tpu.enqueue_dma source(%dma_start3A_24 : memref<1000xi32, #tpu.memory_space<hbm>>) target(%arg7 : memref<1000xi32, #tpu.memory_space<vmem>>) target_semaphore(%run_scoped3A_21 : memref<!tpu.dma_semaphore, #tpu.memory_space<semaphore_mem>>)
        %dma_wait3A = tpu.memref_slice %arg2[%run_scoped3A, %add3A_20] : memref<2x1600000xi32, #tpu.memory_space<hbm>> -> memref<1x1000xi32, #tpu.memory_space<hbm>>
        %dma_wait3A_25 = tpu.memref_squeeze %dma_wait3A : memref<1x1000xi32, #tpu.memory_space<hbm>> -> memref<1000xi32, #tpu.memory_space<hbm>>
        %dma_wait3A_26 = tpu.memref_slice %arg2[%run_scoped3A, %add3A_20] : memref<2x1600000xi32, #tpu.memory_space<hbm>> -> memref<1x1000xi32, #tpu.memory_space<hbm>>
        %dma_wait3A_27 = tpu.memref_squeeze %dma_wait3A_26 : memref<1x1000xi32, #tpu.memory_space<hbm>> -> memref<1000xi32, #tpu.memory_space<hbm>>
        tpu.wait_dma2 semaphore(%run_scoped3A_21 : memref<!tpu.dma_semaphore, #tpu.memory_space<semaphore_mem>>) src(%dma_wait3A_27 : memref<1000xi32, #tpu.memory_space<hbm>>) dst(%arg7 : memref<1000xi32, #tpu.memory_space<vmem>>)
        tpu.yield
      }) : () -> ()
      "tpu.region"() ({
        %run_scoped3A_21 = tpu.sem_alloc : memref<!tpu.dma_semaphore, #tpu.memory_space<semaphore_mem>>
        %dma_start3A = arith.constant 0 : i32
        %dma_start3A_22 = arith.constant 0 : i32
        %dma_start3A_23 = tpu.memref_slice %arg6[%dma_start3A, %dma_start3A_22] : memref<100096x8xf32, #tpu.memory_space<vmem_shared>> -> memref<100096x8xf32, #tpu.memory_space<vmem_shared>>
        tpu.enqueue_indirect_dma source(%arg8 : memref<1000x8xf32, #tpu.memory_space<vmem>>) target(%dma_start3A_23 : memref<100096x8xf32, #tpu.memory_space<vmem_shared>>) offsets(%arg7 : memref<1000xi32, #tpu.memory_space<vmem>>) semaphore(%run_scoped3A_21 : memref<!tpu.dma_semaphore, #tpu.memory_space<semaphore_mem>>) {add = true}
        %dma_wait3A = arith.constant 0 : i32
        %dma_wait3A_24 = arith.constant 0 : i32
        %dma_wait3A_25 = tpu.memref_slice %arg6[%dma_wait3A, %dma_wait3A_24] : memref<100096x8xf32, #tpu.memory_space<vmem_shared>> -> memref<100096x8xf32, #tpu.memory_space<vmem_shared>>
        tpu.wait_indirect_dma semaphore(%run_scoped3A_21 : memref<!tpu.dma_semaphore, #tpu.memory_space<semaphore_mem>>) src(%arg8 : memref<1000x8xf32, #tpu.memory_space<vmem>>) dst(%dma_wait3A_25 : memref<100096x8xf32, #tpu.memory_space<vmem_shared>>)
        tpu.yield
      }) : () -> ()
    }
    %scan3A_11 = arith.constant 50 : i32
    %barrier3A_12 = arith.constant 0 : index
    tpu.barrier barrier_id(%barrier3A_12)
    %mul3A_13 = arith.constant 6256 : i32
    %mul3A_14 = arith.muli %arg1, %mul3A_13 : i32
    %mul3A_15 = arith.constant 6256 : i32
    %mul3A_16 = arith.muli %arg1, %mul3A_15 : i32
    "tpu.region"() ({
      %run_scoped3A = tpu.sem_alloc : memref<!tpu.dma_semaphore, #tpu.memory_space<semaphore_mem>>
      %dma_start3A = arith.constant 0 : i32
      %dma_start3A_17 = tpu.memref_slice %arg5[%mul3A_16, %arg0, %dma_start3A] : memref<100096x8x16xf32, #tpu.memory_space<hbm>> -> memref<6256x1x8xf32, #tpu.memory_space<hbm>>
      %dma_start3A_18 = tpu.memref_squeeze %dma_start3A_17 : memref<6256x1x8xf32, #tpu.memory_space<hbm>> -> memref<6256x8xf32, #tpu.memory_space<hbm>>
      %dma_start3A_19 = arith.constant 0 : i32
      %dma_start3A_20 = tpu.memref_slice %arg6[%mul3A_14, %dma_start3A_19] : memref<100096x8xf32, #tpu.memory_space<vmem_shared>> -> memref<6256x8xf32, #tpu.memory_space<vmem_shared>>
      tpu.enqueue_dma source(%dma_start3A_20 : memref<6256x8xf32, #tpu.memory_space<vmem_shared>>) target(%dma_start3A_18 : memref<6256x8xf32, #tpu.memory_space<hbm>>) target_semaphore(%run_scoped3A : memref<!tpu.dma_semaphore, #tpu.memory_space<semaphore_mem>>)
      %dma_wait3A = arith.constant 0 : i32
      %dma_wait3A_21 = tpu.memref_slice %arg5[%mul3A_16, %arg0, %dma_wait3A] : memref<100096x8x16xf32, #tpu.memory_space<hbm>> -> memref<6256x1x8xf32, #tpu.memory_space<hbm>>
      %dma_wait3A_22 = tpu.memref_squeeze %dma_wait3A_21 : memref<6256x1x8xf32, #tpu.memory_space<hbm>> -> memref<6256x8xf32, #tpu.memory_space<hbm>>
      %dma_wait3A_23 = arith.constant 0 : i32
      %dma_wait3A_24 = tpu.memref_slice %arg6[%mul3A_14, %dma_wait3A_23] : memref<100096x8xf32, #tpu.memory_space<vmem_shared>> -> memref<6256x8xf32, #tpu.memory_space<vmem_shared>>
      tpu.wait_dma2 semaphore(%run_scoped3A : memref<!tpu.dma_semaphore, #tpu.memory_space<semaphore_mem>>) src(%dma_wait3A_24 : memref<6256x8xf32, #tpu.memory_space<vmem_shared>>) dst(%dma_wait3A_22 : memref<6256x8xf32, #tpu.memory_space<hbm>>)
      tpu.yield
    }) : () -> ()
    return
  }
}

#map = affine_map<(d0, d1) -> (0, 0)>
#map1 = affine_map<(d0, d1) -> (0, 0, 0)>
module attributes {stable_mosaic.version = 14 : i64} {
  func.func @sc_kernel(%arg0: i32, %arg1: i32, %arg2: memref<800768x16xf32, #tpu.memory_space<hbm>>, %arg3: memref<2x1600000xi32, #tpu.memory_space<hbm>>, %arg4: memref<100096x16xf32, #tpu.memory_space<hbm>>, %arg5: memref<100096x8x16xf32, #tpu.memory_space<hbm>>, %arg6: memref<100096x16xf32, #tpu.memory_space<vmem_shared>>, %arg7: memref<800xi32, #tpu.memory_space<vmem>>, %arg8: memref<800xi32, #tpu.memory_space<vmem>>, %arg9: memref<800x16xf32, #tpu.memory_space<vmem>>, %arg10: memref<!tpu.dma_semaphore, #tpu.memory_space<semaphore_mem>>) attributes {dimension_semantics = [#tpu.dimension_semantics<core_parallel>, #tpu.dimension_semantics<subcore_parallel>], iteration_bounds = array<i64: 2, 16>, scalar_prefetch = 0 : i64, scratch_operands = 5 : i64, tpu.core_type = #tpu.core_type<sc_vector_subcore>, window_params = [{transform_indices = #map}, {transform_indices = #map}, {transform_indices = #map}, {transform_indices = #map1}]} {
    %mul3A = arith.constant 6256 : i32
    %mul3A_0 = arith.muli %arg1, %mul3A : i32
    %mul3A_1 = arith.constant 6256 : i32
    %mul3A_2 = arith.muli %arg1, %mul3A_1 : i32
    "tpu.region"() ({
      %run_scoped3A = tpu.sem_alloc : memref<!tpu.dma_semaphore, #tpu.memory_space<semaphore_mem>>
      %dma_start3A = arith.constant 0 : i32
      %dma_start3A_15 = tpu.memref_slice %arg6[%mul3A_2, %dma_start3A] : memref<100096x16xf32, #tpu.memory_space<vmem_shared>> -> memref<6256x16xf32, #tpu.memory_space<vmem_shared>>
      %dma_start3A_16 = arith.constant 0 : i32
      %dma_start3A_17 = tpu.memref_slice %arg4[%mul3A_0, %dma_start3A_16] : memref<100096x16xf32, #tpu.memory_space<hbm>> -> memref<6256x16xf32, #tpu.memory_space<hbm>>
      tpu.enqueue_dma source(%dma_start3A_17 : memref<6256x16xf32, #tpu.memory_space<hbm>>) target(%dma_start3A_15 : memref<6256x16xf32, #tpu.memory_space<vmem_shared>>) target_semaphore(%run_scoped3A : memref<!tpu.dma_semaphore, #tpu.memory_space<semaphore_mem>>)
      %dma_wait3A = arith.constant 0 : i32
      %dma_wait3A_18 = tpu.memref_slice %arg6[%mul3A_2, %dma_wait3A] : memref<100096x16xf32, #tpu.memory_space<vmem_shared>> -> memref<6256x16xf32, #tpu.memory_space<vmem_shared>>
      %dma_wait3A_19 = arith.constant 0 : i32
      %dma_wait3A_20 = tpu.memref_slice %arg4[%mul3A_0, %dma_wait3A_19] : memref<100096x16xf32, #tpu.memory_space<hbm>> -> memref<6256x16xf32, #tpu.memory_space<hbm>>
      tpu.wait_dma2 semaphore(%run_scoped3A : memref<!tpu.dma_semaphore, #tpu.memory_space<semaphore_mem>>) src(%dma_wait3A_20 : memref<6256x16xf32, #tpu.memory_space<hbm>>) dst(%dma_wait3A_18 : memref<6256x16xf32, #tpu.memory_space<vmem_shared>>)
      tpu.yield
    }) : () -> ()
    %barrier3A = arith.constant 0 : index
    tpu.barrier barrier_id(%barrier3A)
    %mul3A_3 = arith.constant 100000 : i32
    %mul3A_4 = arith.muli %arg1, %mul3A_3 : i32
    %scan3A = arith.constant 0 : i32
    %scan3A_5 = arith.constant 0 : i32
    %scan3A_6 = arith.constant 125 : i32
    %scan3A_7 = arith.addi %scan3A_5, %scan3A_6 : i32
    %scan3A_8 = arith.constant 1 : i32
    scf.for %scan3A_15 = %scan3A_5 to %scan3A_7 step %scan3A_8  : i32 {
      %mul3A_16 = arith.constant 800 : i32
      %mul3A_17 = arith.muli %scan3A_15, %mul3A_16 : i32
      %add3A = arith.addi %mul3A_4, %mul3A_17 : i32
      %run_scoped3A = arith.constant 0 : i32
      "tpu.region"() ({
        %run_scoped3A_29 = tpu.sem_alloc : memref<!tpu.dma_semaphore, #tpu.memory_space<semaphore_mem>>
        %dma_start3A_30 = tpu.memref_slice %arg3[%run_scoped3A, %add3A] : memref<2x1600000xi32, #tpu.memory_space<hbm>> -> memref<1x800xi32, #tpu.memory_space<hbm>>
        %dma_start3A_31 = tpu.memref_squeeze %dma_start3A_30 : memref<1x800xi32, #tpu.memory_space<hbm>> -> memref<800xi32, #tpu.memory_space<hbm>>
        %dma_start3A_32 = tpu.memref_slice %arg3[%run_scoped3A, %add3A] : memref<2x1600000xi32, #tpu.memory_space<hbm>> -> memref<1x800xi32, #tpu.memory_space<hbm>>
        %dma_start3A_33 = tpu.memref_squeeze %dma_start3A_32 : memref<1x800xi32, #tpu.memory_space<hbm>> -> memref<800xi32, #tpu.memory_space<hbm>>
        tpu.enqueue_dma source(%dma_start3A_33 : memref<800xi32, #tpu.memory_space<hbm>>) target(%arg7 : memref<800xi32, #tpu.memory_space<vmem>>) target_semaphore(%run_scoped3A_29 : memref<!tpu.dma_semaphore, #tpu.memory_space<semaphore_mem>>)
        %dma_wait3A_34 = tpu.memref_slice %arg3[%run_scoped3A, %add3A] : memref<2x1600000xi32, #tpu.memory_space<hbm>> -> memref<1x800xi32, #tpu.memory_space<hbm>>
        %dma_wait3A_35 = tpu.memref_squeeze %dma_wait3A_34 : memref<1x800xi32, #tpu.memory_space<hbm>> -> memref<800xi32, #tpu.memory_space<hbm>>
        %dma_wait3A_36 = tpu.memref_slice %arg3[%run_scoped3A, %add3A] : memref<2x1600000xi32, #tpu.memory_space<hbm>> -> memref<1x800xi32, #tpu.memory_space<hbm>>
        %dma_wait3A_37 = tpu.memref_squeeze %dma_wait3A_36 : memref<1x800xi32, #tpu.memory_space<hbm>> -> memref<800xi32, #tpu.memory_space<hbm>>
        tpu.wait_dma2 semaphore(%run_scoped3A_29 : memref<!tpu.dma_semaphore, #tpu.memory_space<semaphore_mem>>) src(%dma_wait3A_37 : memref<800xi32, #tpu.memory_space<hbm>>) dst(%arg7 : memref<800xi32, #tpu.memory_space<vmem>>)
        tpu.yield
      }) : () -> ()
      %run_scoped3A_18 = arith.constant 1 : i32
      "tpu.region"() ({
        %run_scoped3A_29 = tpu.sem_alloc : memref<!tpu.dma_semaphore, #tpu.memory_space<semaphore_mem>>
        %dma_start3A_30 = tpu.memref_slice %arg3[%run_scoped3A_18, %add3A] : memref<2x1600000xi32, #tpu.memory_space<hbm>> -> memref<1x800xi32, #tpu.memory_space<hbm>>
        %dma_start3A_31 = tpu.memref_squeeze %dma_start3A_30 : memref<1x800xi32, #tpu.memory_space<hbm>> -> memref<800xi32, #tpu.memory_space<hbm>>
        %dma_start3A_32 = tpu.memref_slice %arg3[%run_scoped3A_18, %add3A] : memref<2x1600000xi32, #tpu.memory_space<hbm>> -> memref<1x800xi32, #tpu.memory_space<hbm>>
        %dma_start3A_33 = tpu.memref_squeeze %dma_start3A_32 : memref<1x800xi32, #tpu.memory_space<hbm>> -> memref<800xi32, #tpu.memory_space<hbm>>
        tpu.enqueue_dma source(%dma_start3A_33 : memref<800xi32, #tpu.memory_space<hbm>>) target(%arg8 : memref<800xi32, #tpu.memory_space<vmem>>) target_semaphore(%run_scoped3A_29 : memref<!tpu.dma_semaphore, #tpu.memory_space<semaphore_mem>>)
        %dma_wait3A_34 = tpu.memref_slice %arg3[%run_scoped3A_18, %add3A] : memref<2x1600000xi32, #tpu.memory_space<hbm>> -> memref<1x800xi32, #tpu.memory_space<hbm>>
        %dma_wait3A_35 = tpu.memref_squeeze %dma_wait3A_34 : memref<1x800xi32, #tpu.memory_space<hbm>> -> memref<800xi32, #tpu.memory_space<hbm>>
        %dma_wait3A_36 = tpu.memref_slice %arg3[%run_scoped3A_18, %add3A] : memref<2x1600000xi32, #tpu.memory_space<hbm>> -> memref<1x800xi32, #tpu.memory_space<hbm>>
        %dma_wait3A_37 = tpu.memref_squeeze %dma_wait3A_36 : memref<1x800xi32, #tpu.memory_space<hbm>> -> memref<800xi32, #tpu.memory_space<hbm>>
        tpu.wait_dma2 semaphore(%run_scoped3A_29 : memref<!tpu.dma_semaphore, #tpu.memory_space<semaphore_mem>>) src(%dma_wait3A_37 : memref<800xi32, #tpu.memory_space<hbm>>) dst(%arg8 : memref<800xi32, #tpu.memory_space<vmem>>)
        tpu.yield
      }) : () -> ()
      %scan3A_19 = arith.constant 0 : i32
      %scan3A_20 = arith.constant 0 : i32
      %scan3A_21 = arith.constant 50 : i32
      %scan3A_22 = arith.addi %scan3A_20, %scan3A_21 : i32
      %scan3A_23 = arith.constant 1 : i32
      scf.for %scan3A_29 = %scan3A_20 to %scan3A_22 step %scan3A_23  : i32 {
        %mul3A_30 = arith.constant 16 : i32
        %mul3A_31 = arith.muli %scan3A_29, %mul3A_30 : i32
        %get3A = arith.index_cast %mul3A_31 : i32 to index
        %get3A_32 = tpu.vector_load %arg7[%get3A] {strides = array<i32>} : memref<800xi32, #tpu.memory_space<vmem>>, vector<16xi32>,
        %get3A_33 = vector.shape_cast %get3A_32 : vector<16xi32> to vector<16xi32>
        %mul3A_34 = arith.constant 8 : i32
        %mul3A_35 = vector.broadcast %mul3A_34 : i32 to vector<16xi32>
        %mul3A_36 = arith.muli %get3A_33, %mul3A_35 : vector<16xi32>
        %add3A_37 = vector.broadcast %arg0 : i32 to vector<16xi32>
        %add3A_38 = arith.addi %mul3A_36, %add3A_37 : vector<16xi32>
        %swap3A = arith.index_cast %mul3A_31 : i32 to index
        %swap3A_39 = tpu.vector_load %arg7[%swap3A] {strides = array<i32>} : memref<800xi32, #tpu.memory_space<vmem>>, vector<16xi32>,
        %swap3A_40 = vector.shape_cast %swap3A_39 : vector<16xi32> to vector<16xi32>
        %swap3A_41 = vector.shape_cast %add3A_38 : vector<16xi32> to vector<16xi32>
        tpu.vector_store %arg7[%swap3A], %swap3A_41 {strides = array<i32>} : memref<800xi32, #tpu.memory_space<vmem>>, vector<16xi32>,
      }
      %scan3A_24 = arith.constant 50 : i32
      %dma_start3A = arith.constant 0 : i32
      %dma_start3A_25 = arith.constant 0 : i32
      %dma_start3A_26 = tpu.memref_slice %arg2[%dma_start3A, %dma_start3A_25] : memref<800768x16xf32, #tpu.memory_space<hbm>> -> memref<800768x16xf32, #tpu.memory_space<hbm>>
      tpu.enqueue_indirect_dma source(%dma_start3A_26 : memref<800768x16xf32, #tpu.memory_space<hbm>>) target(%arg9 : memref<800x16xf32, #tpu.memory_space<vmem>>) offsets(%arg7 : memref<800xi32, #tpu.memory_space<vmem>>) semaphore(%arg10 : memref<!tpu.dma_semaphore, #tpu.memory_space<semaphore_mem>>)
      %dma_wait3A = arith.constant 0 : i32
      %dma_wait3A_27 = arith.constant 0 : i32
      %dma_wait3A_28 = tpu.memref_slice %arg2[%dma_wait3A, %dma_wait3A_27] : memref<800768x16xf32, #tpu.memory_space<hbm>> -> memref<800768x16xf32, #tpu.memory_space<hbm>>
      tpu.wait_indirect_dma semaphore(%arg10 : memref<!tpu.dma_semaphore, #tpu.memory_space<semaphore_mem>>) src(%dma_wait3A_28 : memref<800768x16xf32, #tpu.memory_space<hbm>>) dst(%arg9 : memref<800x16xf32, #tpu.memory_space<vmem>>)
      "tpu.region"() ({
        %run_scoped3A_29 = tpu.sem_alloc : memref<!tpu.dma_semaphore, #tpu.memory_space<semaphore_mem>>
        %dma_start3A_30 = arith.constant 0 : i32
        %dma_start3A_31 = arith.constant 0 : i32
        %dma_start3A_32 = tpu.memref_slice %arg6[%dma_start3A_30, %dma_start3A_31] : memref<100096x16xf32, #tpu.memory_space<vmem_shared>> -> memref<100096x16xf32, #tpu.memory_space<vmem_shared>>
        tpu.enqueue_indirect_dma source(%arg9 : memref<800x16xf32, #tpu.memory_space<vmem>>) target(%dma_start3A_32 : memref<100096x16xf32, #tpu.memory_space<vmem_shared>>) offsets(%arg8 : memref<800xi32, #tpu.memory_space<vmem>>) semaphore(%run_scoped3A_29 : memref<!tpu.dma_semaphore, #tpu.memory_space<semaphore_mem>>) {add = true}
        %dma_wait3A_33 = arith.constant 0 : i32
        %dma_wait3A_34 = arith.constant 0 : i32
        %dma_wait3A_35 = tpu.memref_slice %arg6[%dma_wait3A_33, %dma_wait3A_34] : memref<100096x16xf32, #tpu.memory_space<vmem_shared>> -> memref<100096x16xf32, #tpu.memory_space<vmem_shared>>
        tpu.wait_indirect_dma semaphore(%run_scoped3A_29 : memref<!tpu.dma_semaphore, #tpu.memory_space<semaphore_mem>>) src(%arg9 : memref<800x16xf32, #tpu.memory_space<vmem>>) dst(%dma_wait3A_35 : memref<100096x16xf32, #tpu.memory_space<vmem_shared>>)
        tpu.yield
      }) : () -> ()
    }
    %scan3A_9 = arith.constant 125 : i32
    %barrier3A_10 = arith.constant 0 : index
    tpu.barrier barrier_id(%barrier3A_10)
    %mul3A_11 = arith.constant 6256 : i32
    %mul3A_12 = arith.muli %arg1, %mul3A_11 : i32
    %mul3A_13 = arith.constant 6256 : i32
    %mul3A_14 = arith.muli %arg1, %mul3A_13 : i32
    "tpu.region"() ({
      %run_scoped3A = tpu.sem_alloc : memref<!tpu.dma_semaphore, #tpu.memory_space<semaphore_mem>>
      %dma_start3A = arith.constant 0 : i32
      %dma_start3A_15 = tpu.memref_slice %arg5[%mul3A_14, %arg0, %dma_start3A] : memref<100096x8x16xf32, #tpu.memory_space<hbm>> -> memref<6256x1x16xf32, #tpu.memory_space<hbm>>
      %dma_start3A_16 = tpu.memref_squeeze %dma_start3A_15 : memref<6256x1x16xf32, #tpu.memory_space<hbm>> -> memref<6256x16xf32, #tpu.memory_space<hbm>>
      %dma_start3A_17 = arith.constant 0 : i32
      %dma_start3A_18 = tpu.memref_slice %arg6[%mul3A_12, %dma_start3A_17] : memref<100096x16xf32, #tpu.memory_space<vmem_shared>> -> memref<6256x16xf32, #tpu.memory_space<vmem_shared>>
      tpu.enqueue_dma source(%dma_start3A_18 : memref<6256x16xf32, #tpu.memory_space<vmem_shared>>) target(%dma_start3A_16 : memref<6256x16xf32, #tpu.memory_space<hbm>>) target_semaphore(%run_scoped3A : memref<!tpu.dma_semaphore, #tpu.memory_space<semaphore_mem>>)
      %dma_wait3A = arith.constant 0 : i32
      %dma_wait3A_19 = tpu.memref_slice %arg5[%mul3A_14, %arg0, %dma_wait3A] : memref<100096x8x16xf32, #tpu.memory_space<hbm>> -> memref<6256x1x16xf32, #tpu.memory_space<hbm>>
      %dma_wait3A_20 = tpu.memref_squeeze %dma_wait3A_19 : memref<6256x1x16xf32, #tpu.memory_space<hbm>> -> memref<6256x16xf32, #tpu.memory_space<hbm>>
      %dma_wait3A_21 = arith.constant 0 : i32
      %dma_wait3A_22 = tpu.memref_slice %arg6[%mul3A_12, %dma_wait3A_21] : memref<100096x16xf32, #tpu.memory_space<vmem_shared>> -> memref<6256x16xf32, #tpu.memory_space<vmem_shared>>
      tpu.wait_dma2 semaphore(%run_scoped3A : memref<!tpu.dma_semaphore, #tpu.memory_space<semaphore_mem>>) src(%dma_wait3A_22 : memref<6256x16xf32, #tpu.memory_space<vmem_shared>>) dst(%dma_wait3A_20 : memref<6256x16xf32, #tpu.memory_space<hbm>>)
      tpu.yield
    }) : () -> ()
    return
  }
}

module attributes {stable_mosaic.version = 14 : i64} {
  func.func @_embed_body(%arg0: i32, %arg1: memref<4000x128xf32, #tpu.memory_space<vmem>>, %arg2: memref<128x32xf32, #tpu.memory_space<vmem>>, %arg3: memref<1x32xf32, #tpu.memory_space<vmem>>, %arg4: memref<500x8x128xf32, #tpu.memory_space<vmem>>) attributes {dimension_semantics = [#tpu.dimension_semantics<arbitrary>], iteration_bounds = array<i64: 25>, scalar_prefetch = 0 : i64, scratch_operands = 0 : i64, tpu.core_type = #tpu.core_type<tc>, window_params = [{transform_indices = @transform_0, window_bounds = array<i64: 4000, 128>}, {pipeline_mode = #tpu.pipeline_mode<synchronous>, transform_indices = @transform_1, window_bounds = array<i64: 128, 32>}, {pipeline_mode = #tpu.pipeline_mode<synchronous>, transform_indices = @transform_2, window_bounds = array<i64: 1, 32>}, {transform_indices = @transform_3, window_bounds = array<i64: 500, 8, 128>}]} {
    %get3A = arith.constant 0 : index
    %get3A_0 = arith.constant 0 : index
    %get3A_1 = vector.load %arg1[%get3A, %get3A_0] : memref<4000x128xf32, #tpu.memory_space<vmem>>, vector<4000x128xf32>
    %get3A_2 = arith.constant 0 : index
    %get3A_3 = arith.constant 0 : index
    %get3A_4 = vector.load %arg2[%get3A_2, %get3A_3] : memref<128x32xf32, #tpu.memory_space<vmem>>, vector<128x32xf32>
    %dot_general3A = arith.constant dense<0.000000e+00> : vector<4000x32xf32>
    %dot_general3A_5 = tpu.matmul %get3A_1, %get3A_4, %dot_general3A {dimension_numbers = #tpu.dot_dimension_numbers<[1], [0], [0], [1], [0, 0, 1, 1], [], []>, transpose_lhs_hint = false} : vector<4000x128xf32>, vector<128x32xf32>, vector<4000x32xf32> -> vector<4000x32xf32>
    %get3A_6 = arith.constant 0 : index
    %get3A_7 = arith.constant 0 : index
    %get3A_8 = vector.load %arg3[%get3A_6, %get3A_7] : memref<1x32xf32, #tpu.memory_space<vmem>>, vector<1x32xf32>
    %add3A = vector.broadcast %get3A_8 : vector<1x32xf32> to vector<4000x32xf32>
    %add3A_9 = arith.addf %dot_general3A_5, %add3A : vector<4000x32xf32>
    %reshape3A = vector.shape_cast %add3A_9 : vector<4000x32xf32> to vector<500x8x32xf32>
    %broadcast_in_dim3A = arith.constant 0.000000e+00 : f32
    %broadcast_in_dim3A_10 = vector.broadcast %broadcast_in_dim3A : f32 to vector<500x8x96xf32>
    %concatenate3A = tpu.concatenate %reshape3A, %broadcast_in_dim3A_10 in 2 : vector<500x8x32xf32>, vector<500x8x96xf32> -> vector<500x8x128xf32>
    %swap3A = arith.constant 0 : index
    %swap3A_11 = arith.constant 0 : index
    %swap3A_12 = arith.constant 0 : index
    %swap3A_13 = vector.load %arg4[%swap3A, %swap3A_11, %swap3A_12] : memref<500x8x128xf32, #tpu.memory_space<vmem>>, vector<500x8x128xf32>
    tpu.vector_store %arg4[%swap3A, %swap3A_11, %swap3A_12], %concatenate3A {strides = array<i32>} : memref<500x8x128xf32, #tpu.memory_space<vmem>>, vector<500x8x128xf32>,
    return
  }
  func.func @transform_0(%arg0: i32) -> (i32, i32) {
    %c0_i32 = arith.constant 0 : i32
    %c0_i32_0 = arith.constant 0 : i32
    return %arg0, %c0_i32 : i32, i32
  }
  func.func @transform_1(%arg0: i32) -> (i32, i32) {
    %c0_i32 = arith.constant 0 : i32
    %c0_i32_0 = arith.constant 0 : i32
    %c0_i32_1 = arith.constant 0 : i32
    return %c0_i32, %c0_i32_0 : i32, i32
  }
  func.func @transform_2(%arg0: i32) -> (i32, i32) {
    %c0_i32 = arith.constant 0 : i32
    %c0_i32_0 = arith.constant 0 : i32
    %c0_i32_1 = arith.constant 0 : i32
    return %c0_i32, %c0_i32_0 : i32, i32
  }
  func.func @transform_3(%arg0: i32) -> (i32, i32, i32) {
    %c0_i32 = arith.constant 0 : i32
    %c0_i32_0 = arith.constant 0 : i32
    %c0_i32_1 = arith.constant 0 : i32
    return %arg0, %c0_i32, %c0_i32_0 : i32, i32, i32
  }
}

module attributes {stable_mosaic.version = 14 : i64} {
  func.func @_final_body(%arg0: i32, %arg1: memref<500x8x128xf32, #tpu.memory_space<vmem>>, %arg2: memref<500x8x128xf32, #tpu.memory_space<vmem>>, %arg3: memref<500x8x128xf32, #tpu.memory_space<vmem>>, %arg4: memref<32x256xf32, #tpu.memory_space<vmem>>, %arg5: memref<32x256xf32, #tpu.memory_space<vmem>>, %arg6: memref<8x256xf32, #tpu.memory_space<vmem>>, %arg7: memref<1x256xf32, #tpu.memory_space<vmem>>, %arg8: memref<32x15xf32, #tpu.memory_space<vmem>>, %arg9: memref<32x15xf32, #tpu.memory_space<vmem>>, %arg10: memref<8x15xf32, #tpu.memory_space<vmem>>, %arg11: memref<1x15xf32, #tpu.memory_space<vmem>>, %arg12: memref<4000x15xf32, #tpu.memory_space<vmem>>, %arg13: memref<15x256xf32, #tpu.memory_space<vmem>>) attributes {dimension_semantics = [#tpu.dimension_semantics<arbitrary>], iteration_bounds = array<i64: 25>, scalar_prefetch = 0 : i64, scratch_operands = 0 : i64, tpu.core_type = #tpu.core_type<tc>, window_params = [{transform_indices = @transform_0, window_bounds = array<i64: 500, 8, 128>}, {transform_indices = @transform_1, window_bounds = array<i64: 500, 8, 128>}, {transform_indices = @transform_2, window_bounds = array<i64: 500, 8, 128>}, {pipeline_mode = #tpu.pipeline_mode<synchronous>, transform_indices = @transform_3, window_bounds = array<i64: 32, 256>}, {pipeline_mode = #tpu.pipeline_mode<synchronous>, transform_indices = @transform_4, window_bounds = array<i64: 32, 256>}, {pipeline_mode = #tpu.pipeline_mode<synchronous>, transform_indices = @transform_5, window_bounds = array<i64: 8, 256>}, {pipeline_mode = #tpu.pipeline_mode<synchronous>, transform_indices = @transform_6, window_bounds = array<i64: 1, 256>}, {pipeline_mode = #tpu.pipeline_mode<synchronous>, transform_indices = @transform_7, window_bounds = array<i64: 32, 15>}, {pipeline_mode = #tpu.pipeline_mode<synchronous>, transform_indices = @transform_8, window_bounds = array<i64: 32, 15>}, {pipeline_mode = #tpu.pipeline_mode<synchronous>, transform_indices = @transform_9, window_bounds = array<i64: 8, 15>}, {pipeline_mode = #tpu.pipeline_mode<synchronous>, transform_indices = @transform_10, window_bounds = array<i64: 1, 15>}, {transform_indices = @transform_11, window_bounds = array<i64: 4000, 15>}, {pipeline_mode = #tpu.pipeline_mode<synchronous>, transform_indices = @transform_12, window_bounds = array<i64: 15, 256>}]} {
    %get3A = arith.constant 0 : index
    %get3A_0 = arith.constant 0 : index
    %get3A_1 = arith.constant 0 : index
    %get3A_2 = vector.load %arg1[%get3A, %get3A_0, %get3A_1] : memref<500x8x128xf32, #tpu.memory_space<vmem>>, vector<500x8x32xf32>
    %reshape3A = vector.shape_cast %get3A_2 : vector<500x8x32xf32> to vector<4000x32xf32>
    %get3A_3 = arith.constant 0 : index
    %get3A_4 = arith.constant 0 : index
    %get3A_5 = arith.constant 0 : index
    %get3A_6 = vector.load %arg2[%get3A_3, %get3A_4, %get3A_5] : memref<500x8x128xf32, #tpu.memory_space<vmem>>, vector<500x8x32xf32>
    %reshape3A_7 = vector.shape_cast %get3A_6 : vector<500x8x32xf32> to vector<4000x32xf32>
    %get3A_8 = arith.constant 0 : index
    %get3A_9 = arith.constant 0 : index
    %get3A_10 = arith.constant 0 : index
    %get3A_11 = vector.load %arg3[%get3A_8, %get3A_9, %get3A_10] : memref<500x8x128xf32, #tpu.memory_space<vmem>>, vector<500x8x8xf32>
    %reshape3A_12 = vector.shape_cast %get3A_11 : vector<500x8x8xf32> to vector<4000x8xf32>
    %get3A_13 = arith.constant 0 : index
    %get3A_14 = arith.constant 0 : index
    %get3A_15 = arith.constant 16 : index
    %get3A_16 = vector.load %arg3[%get3A_13, %get3A_14, %get3A_15] : memref<500x8x128xf32, #tpu.memory_space<vmem>>, vector<500x8x8xf32>
    %reshape3A_17 = vector.shape_cast %get3A_16 : vector<500x8x8xf32> to vector<4000x8xf32>
    %add3A = arith.addf %reshape3A_12, %reshape3A_17 : vector<4000x8xf32>
    %get3A_18 = arith.constant 0 : index
    %get3A_19 = arith.constant 0 : index
    %get3A_20 = vector.load %arg4[%get3A_18, %get3A_19] : memref<32x256xf32, #tpu.memory_space<vmem>>, vector<32x256xf32>
    %dot_general3A = arith.constant dense<0.000000e+00> : vector<4000x256xf32>
    %dot_general3A_21 = tpu.matmul %reshape3A, %get3A_20, %dot_general3A {dimension_numbers = #tpu.dot_dimension_numbers<[1], [0], [0], [1], [0, 0, 1, 1], [], []>, transpose_lhs_hint = false} : vector<4000x32xf32>, vector<32x256xf32>, vector<4000x256xf32> -> vector<4000x256xf32>
    %get3A_22 = arith.constant 0 : index
    %get3A_23 = arith.constant 0 : index
    %get3A_24 = vector.load %arg5[%get3A_22, %get3A_23] : memref<32x256xf32, #tpu.memory_space<vmem>>, vector<32x256xf32>
    %dot_general3A_25 = arith.constant dense<0.000000e+00> : vector<4000x256xf32>
    %dot_general3A_26 = tpu.matmul %reshape3A_7, %get3A_24, %dot_general3A_25 {dimension_numbers = #tpu.dot_dimension_numbers<[1], [0], [0], [1], [0, 0, 1, 1], [], []>, transpose_lhs_hint = false} : vector<4000x32xf32>, vector<32x256xf32>, vector<4000x256xf32> -> vector<4000x256xf32>
    %add3A_27 = arith.addf %dot_general3A_21, %dot_general3A_26 : vector<4000x256xf32>
    %get3A_28 = arith.constant 0 : index
    %get3A_29 = arith.constant 0 : index
    %get3A_30 = vector.load %arg6[%get3A_28, %get3A_29] : memref<8x256xf32, #tpu.memory_space<vmem>>, vector<8x256xf32>
    %dot_general3A_31 = arith.constant dense<0.000000e+00> : vector<4000x256xf32>
    %dot_general3A_32 = tpu.matmul %add3A, %get3A_30, %dot_general3A_31 {dimension_numbers = #tpu.dot_dimension_numbers<[1], [0], [0], [1], [0, 0, 1, 1], [], []>, transpose_lhs_hint = false} : vector<4000x8xf32>, vector<8x256xf32>, vector<4000x256xf32> -> vector<4000x256xf32>
    %add3A_33 = arith.addf %add3A_27, %dot_general3A_32 : vector<4000x256xf32>
    %get3A_34 = arith.constant 0 : index
    %get3A_35 = arith.constant 0 : index
    %get3A_36 = vector.load %arg7[%get3A_34, %get3A_35] : memref<1x256xf32, #tpu.memory_space<vmem>>, vector<1x256xf32>
    %add3A_37 = vector.broadcast %get3A_36 : vector<1x256xf32> to vector<4000x256xf32>
    %add3A_38 = arith.addf %add3A_33, %add3A_37 : vector<4000x256xf32>
    %max3A = arith.constant 0.000000e+00 : f32
    %max3A_39 = vector.broadcast %max3A : f32 to vector<4000x256xf32>
    %max3A_40 = arith.maximumf %add3A_38, %max3A_39 : vector<4000x256xf32>
    %get3A_41 = arith.constant 0 : index
    %get3A_42 = arith.constant 0 : index
    %get3A_43 = vector.load %arg8[%get3A_41, %get3A_42] : memref<32x15xf32, #tpu.memory_space<vmem>>, vector<32x15xf32>
    %dot_general3A_44 = arith.constant dense<0.000000e+00> : vector<4000x15xf32>
    %dot_general3A_45 = tpu.matmul %reshape3A, %get3A_43, %dot_general3A_44 {dimension_numbers = #tpu.dot_dimension_numbers<[1], [0], [0], [1], [0, 0, 1, 1], [], []>, transpose_lhs_hint = false} : vector<4000x32xf32>, vector<32x15xf32>, vector<4000x15xf32> -> vector<4000x15xf32>
    %get3A_46 = arith.constant 0 : index
    %get3A_47 = arith.constant 0 : index
    %get3A_48 = vector.load %arg9[%get3A_46, %get3A_47] : memref<32x15xf32, #tpu.memory_space<vmem>>, vector<32x15xf32>
    %dot_general3A_49 = arith.constant dense<0.000000e+00> : vector<4000x15xf32>
    %dot_general3A_50 = tpu.matmul %reshape3A_7, %get3A_48, %dot_general3A_49 {dimension_numbers = #tpu.dot_dimension_numbers<[1], [0], [0], [1], [0, 0, 1, 1], [], []>, transpose_lhs_hint = false} : vector<4000x32xf32>, vector<32x15xf32>, vector<4000x15xf32> -> vector<4000x15xf32>
    %add3A_51 = arith.addf %dot_general3A_45, %dot_general3A_50 : vector<4000x15xf32>
    %get3A_52 = arith.constant 0 : index
    %get3A_53 = arith.constant 0 : index
    %get3A_54 = vector.load %arg10[%get3A_52, %get3A_53] : memref<8x15xf32, #tpu.memory_space<vmem>>, vector<8x15xf32>
    %dot_general3A_55 = arith.constant dense<0.000000e+00> : vector<4000x15xf32>
    %dot_general3A_56 = tpu.matmul %add3A, %get3A_54, %dot_general3A_55 {dimension_numbers = #tpu.dot_dimension_numbers<[1], [0], [0], [1], [0, 0, 1, 1], [], []>, transpose_lhs_hint = false} : vector<4000x8xf32>, vector<8x15xf32>, vector<4000x15xf32> -> vector<4000x15xf32>
    %add3A_57 = arith.addf %add3A_51, %dot_general3A_56 : vector<4000x15xf32>
    %get3A_58 = arith.constant 0 : index
    %get3A_59 = arith.constant 0 : index
    %get3A_60 = vector.load %arg11[%get3A_58, %get3A_59] : memref<1x15xf32, #tpu.memory_space<vmem>>, vector<1x15xf32>
    %add3A_61 = vector.broadcast %get3A_60 : vector<1x15xf32> to vector<4000x15xf32>
    %add3A_62 = arith.addf %add3A_57, %add3A_61 : vector<4000x15xf32>
    %reduce_max3A = arith.constant dense<0xFF800000> : vector<4000xf32>
    %reduce_max3A_63 = vector.multi_reduction <maximumf>, %add3A_62, %reduce_max3A [1] : vector<4000x15xf32> to vector<4000xf32>
    %broadcast_in_dim3A = vector.shape_cast %reduce_max3A_63 : vector<4000xf32> to vector<4000x1xf32>
    %sub3A = vector.broadcast %broadcast_in_dim3A : vector<4000x1xf32> to vector<4000x15xf32>
    %sub3A_64 = arith.subf %add3A_62, %sub3A : vector<4000x15xf32>
    %exp3A = math.exp %sub3A_64 : vector<4000x15xf32>
    %reduce_sum3A = arith.constant dense<0.000000e+00> : vector<4000xf32>
    %reduce_sum3A_65 = vector.multi_reduction <add>, %exp3A, %reduce_sum3A [1] : vector<4000x15xf32> to vector<4000xf32>
    %broadcast_in_dim3A_66 = vector.shape_cast %reduce_sum3A_65 : vector<4000xf32> to vector<4000x1xf32>
    %div3A = vector.broadcast %broadcast_in_dim3A_66 : vector<4000x1xf32> to vector<4000x15xf32>
    %div3A_67 = arith.divf %exp3A, %div3A : vector<4000x15xf32>
    %swap3A = arith.constant 0 : index
    %swap3A_68 = arith.constant 0 : index
    %swap3A_69 = vector.load %arg12[%swap3A, %swap3A_68] : memref<4000x15xf32, #tpu.memory_space<vmem>>, vector<4000x15xf32>
    tpu.vector_store %arg12[%swap3A, %swap3A_68], %div3A_67 {strides = array<i32>} : memref<4000x15xf32, #tpu.memory_space<vmem>>, vector<4000x15xf32>,
    %dot_general3A_70 = arith.constant dense<0.000000e+00> : vector<15x256xf32>
    %dot_general3A_71 = tpu.matmul %div3A_67, %max3A_40, %dot_general3A_70 {dimension_numbers = #tpu.dot_dimension_numbers<[0], [0], [1], [1], [0, 1, 1, 1], [], []>, transpose_lhs_hint = false} : vector<4000x15xf32>, vector<4000x256xf32>, vector<15x256xf32> -> vector<15x256xf32>
    %eq3A = arith.constant 0 : i32
    %eq3A_72 = arith.cmpi eq, %arg0, %eq3A : i32
    %convert_element_type3A = arith.extui %eq3A_72 : i1 to i32
    %cond3A = arith.constant 0 : i32
    %cond3A_73 = arith.cmpi ne, %convert_element_type3A, %cond3A : i32
    scf.if %cond3A_73 {
      %broadcast_in_dim3A_81 = arith.constant 0.000000e+00 : f32
      %broadcast_in_dim3A_82 = vector.broadcast %broadcast_in_dim3A_81 : f32 to vector<15x256xf32>
      %swap3A_83 = arith.constant 0 : index
      %swap3A_84 = arith.constant 0 : index
      %swap3A_85 = vector.load %arg13[%swap3A_83, %swap3A_84] : memref<15x256xf32, #tpu.memory_space<vmem>>, vector<15x256xf32>
      tpu.vector_store %arg13[%swap3A_83, %swap3A_84], %broadcast_in_dim3A_82 {strides = array<i32>} : memref<15x256xf32, #tpu.memory_space<vmem>>, vector<15x256xf32>,
    } else {
    }
    %get3A_74 = arith.constant 0 : index
    %get3A_75 = arith.constant 0 : index
    %get3A_76 = vector.load %arg13[%get3A_74, %get3A_75] : memref<15x256xf32, #tpu.memory_space<vmem>>, vector<15x256xf32>
    %add3A_77 = arith.addf %get3A_76, %dot_general3A_71 : vector<15x256xf32>
    %swap3A_78 = arith.constant 0 : index
    %swap3A_79 = arith.constant 0 : index
    %swap3A_80 = vector.load %arg13[%swap3A_78, %swap3A_79] : memref<15x256xf32, #tpu.memory_space<vmem>>, vector<15x256xf32>
    tpu.vector_store %arg13[%swap3A_78, %swap3A_79], %add3A_77 {strides = array<i32>} : memref<15x256xf32, #tpu.memory_space<vmem>>, vector<15x256xf32>,
    return
  }
  func.func @transform_0(%arg0: i32) -> (i32, i32, i32) {
    %c0_i32 = arith.constant 0 : i32
    %c0_i32_0 = arith.constant 0 : i32
    %c0_i32_1 = arith.constant 0 : i32
    return %arg0, %c0_i32, %c0_i32_0 : i32, i32, i32
  }
  func.func @transform_1(%arg0: i32) -> (i32, i32, i32) {
    %c0_i32 = arith.constant 0 : i32
    %c0_i32_0 = arith.constant 0 : i32
    %c0_i32_1 = arith.constant 0 : i32
    return %arg0, %c0_i32, %c0_i32_0 : i32, i32, i32
  }
  func.func @transform_2(%arg0: i32) -> (i32, i32, i32) {
    %c0_i32 = arith.constant 0 : i32
    %c0_i32_0 = arith.constant 0 : i32
    %c0_i32_1 = arith.constant 0 : i32
    return %arg0, %c0_i32, %c0_i32_0 : i32, i32, i32
  }
  func.func @transform_3(%arg0: i32) -> (i32, i32) {
    %c0_i32 = arith.constant 0 : i32
    %c0_i32_0 = arith.constant 0 : i32
    %c0_i32_1 = arith.constant 0 : i32
    return %c0_i32, %c0_i32_0 : i32, i32
  }
  func.func @transform_4(%arg0: i32) -> (i32, i32) {
    %c0_i32 = arith.constant 0 : i32
    %c0_i32_0 = arith.constant 0 : i32
    %c0_i32_1 = arith.constant 0 : i32
    return %c0_i32, %c0_i32_0 : i32, i32
  }
  func.func @transform_5(%arg0: i32) -> (i32, i32) {
    %c0_i32 = arith.constant 0 : i32
    %c0_i32_0 = arith.constant 0 : i32
    %c0_i32_1 = arith.constant 0 : i32
    return %c0_i32, %c0_i32_0 : i32, i32
  }
  func.func @transform_6(%arg0: i32) -> (i32, i32) {
    %c0_i32 = arith.constant 0 : i32
    %c0_i32_0 = arith.constant 0 : i32
    %c0_i32_1 = arith.constant 0 : i32
    return %c0_i32, %c0_i32_0 : i32, i32
  }
  func.func @transform_7(%arg0: i32) -> (i32, i32) {
    %c0_i32 = arith.constant 0 : i32
    %c0_i32_0 = arith.constant 0 : i32
    %c0_i32_1 = arith.constant 0 : i32
    return %c0_i32, %c0_i32_0 : i32, i32
  }
  func.func @transform_8(%arg0: i32) -> (i32, i32) {
    %c0_i32 = arith.constant 0 : i32
    %c0_i32_0 = arith.constant 0 : i32
    %c0_i32_1 = arith.constant 0 : i32
    return %c0_i32, %c0_i32_0 : i32, i32
  }
  func.func @transform_9(%arg0: i32) -> (i32, i32) {
    %c0_i32 = arith.constant 0 : i32
    %c0_i32_0 = arith.constant 0 : i32
    %c0_i32_1 = arith.constant 0 : i32
    return %c0_i32, %c0_i32_0 : i32, i32
  }
  func.func @transform_10(%arg0: i32) -> (i32, i32) {
    %c0_i32 = arith.constant 0 : i32
    %c0_i32_0 = arith.constant 0 : i32
    %c0_i32_1 = arith.constant 0 : i32
    return %c0_i32, %c0_i32_0 : i32, i32
  }
  func.func @transform_11(%arg0: i32) -> (i32, i32) {
    %c0_i32 = arith.constant 0 : i32
    %c0_i32_0 = arith.constant 0 : i32
    return %arg0, %c0_i32 : i32, i32
  }
  func.func @transform_12(%arg0: i32) -> (i32, i32) {
    %c0_i32 = arith.constant 0 : i32
    %c0_i32_0 = arith.constant 0 : i32
    %c0_i32_1 = arith.constant 0 : i32
    return %c0_i32, %c0_i32_0 : i32, i32
  }
}

</mosaic_0001>

<sc_bundles>
// kernel: kernel.6.cloned.1.call-start
scs
__scs_entry_jumppad:
0x0: {  	(pc) =	sbr.rel $0x88, $3  }
0x1: {  	(tag) =	ssettag $0x0;
	lr =	simm.s32 $0x1  }
0x2: {  	[smem:$0x3F94] =	sst lr;
	_ =	strace $0xD0000000  }
0x3: {  	_ = 	snop  }
0x4: {  	_ = 	snop  }
0x5: {  	_ = 	snop  }
0x6: {  	_ = 	snop  }
0x7: {  	_ = 	snop  }
__scs_overlays_trampoline_lowered:
0x8: {  	[smem:$0x3FA3] =	sst s0  }
0x9: {  	[smem:$0x3FA4] =	sst s1  }
0xa: {  	[smem:$0x3FA5] =	sst s2  }
0xb: {  	[smem:$0x3FA6] =	sst s3  }
0xc: {  	[smem:$0x3FA7] =	sst s4  }
0xd: {  	[smem:$0x3FA8] =	sst s5  }
0xe: {  	[smem:$0x3FA9] =	sst s6  }
0xf: {  	[smem:$0x3FAA] =	sst s7  }
0x10: {  	[smem:$0x3FAB] =	sst s8  }
0x11: {  	[smem:$0x3FAC] =	sst s9;
	s0 =	simm.s32 @!p0 $0x0  }
0x12: {  	s1 =	sld [smem:$0x3F92];
	s0 =	simm.s32 @p0 $0x1  }
0x13: {  	[smem:$0x3FAD] =	sst s0;
	s0 =	simm.s32 @!p1 $0x0  }
0x14: {  	s2 =	sld [smem:$0x3F91];
	s0 =	simm.s32 @p1 $0x1  }
0x15: {  	[smem:$0x3FAE] =	sst s0;
	s0 =	simm.s32 @!p2 $0x0  }
0x16: {  	s3 =	sld [smem:$0x3FDB];
	s0 =	simm.s32 @p2 $0x1  }
0x17: {  	s4 =	simm.s32 $0x1BF5;
	[smem:$0x3FB0] =	sst s0  }
0x18: {  	s0 =	sld [smem:$0x3F93];
	_ =	swait.ge [sflag:s4], $0x0  }
0x19: {  	s7 =	sld [smem:$0x3F94]  }
0x1a: {  	s8 =	sadd.s32 $0xFFFFE003, lr  }
0x1b: {  	s9 =	sadd.s32 $0xFFFFFEF7, lr;
	s5 =	simm.s32 $0xFFFFFFFF;
	p2 =	slt.u32 s8, $0xFFFFF086  }
0x1c: {  	p1 =	slt.u32 s9, $0xF7A;
	s5 =	simm.s32 @!p2 $0x0  }
0x1d: {  	s5 =	simm.s32 @p1 $0x1;
	p0 =	seq.s32 s7, s2  }
0x1e: {  	s7 =	smul.u32 @!p0 $0xF7A, s2;
	p2 =	seq.s32 @!p0 s5, $0x0  }
0x1f: {  	s9 =	smul.u32 $0xF7A, s1;
	s8 =	simm.s32 @!p0 $0x1BF5;
	p2 =	por !p2, p0  }
0x20: {  	[sflag:s8] =	ssyncset.s32 @!p0 $0xFFFFF086;
	s6 =	sadd.s32 @!p0 s3, s7;
	s7 =	simm.s32 @!p0 $0x108  }
0x21: {  	s3 =	sadd.s32 s3, s9;
	s6 =	sadd.s32 @!p0 $0x88, s6;
	s7 =	simm.s32 @p2 $0x1082  }
0x22: {  	[simem:s7], [sflag:s8] =	dma.local @!p0 [hbm:s6], $0xF7A  }
0x23: {  	s9 =	sor.u32 $0xD0000000, s2;
	s6 =	simm.s32 $0x108;
	_ =	swait.ge @!p0 [sflag:s8], $0x0  }
0x24: {  	s3 =	sadd.s32 $0x88, s3;
	s6 =	simm.s32 @!p1 $0x1082;
	[sflag:s4] =	ssyncset.s32 $0xFFFFF086  }
0x25: {  	[simem:s6], [sflag:s4] =	dma.local [hbm:s3], $0xF7A  }
0x26: {  	[smem:$0x3F94] =	sst s1;
	(tag) =	ssettag s2;
	_ =	strace s9  }
0x27: {  	s1 =	sld [smem:$0x3FA4]  }
0x28: {  	s2 =	sld [smem:$0x3FA5]  }
0x29: {  	s4 =	sld [smem:$0x3FA7]  }
0x2a: {  	p0 =	seq.s32 s5, $0x0;
	s5 =	sld [smem:$0x3FA8]  }
0x2b: {  	s6 =	sld [smem:$0x3FA9]  }
0x2c: {  	s7 =	sld [smem:$0x3FAA]  }
0x2d: {  	s3 =	simm.s32 $0x108;
	s8 =	sld [smem:$0x3FAB]  }
0x2e: {  	s3 =	simm.s32 @!p0 $0x1082;
	s9 =	sld [smem:$0x3FAC]  }
0x2f: {  	lr =	sadd.s32 s0, s3;
	s0 =	sld [smem:$0x3FA3]  }
0x30: {  	s3 =	sld [smem:$0x3FA6]  }
0x31: {  	[smem:$0x3FAF] =	sst s10  }
0x32: {  	s10 =	sld [smem:$0x3FAD];
	_ =	sdelay $0x3  }
0x33: {  	p0 =	seq.s32 s10, $0x1;
	s10 =	sld [smem:$0x3FAF];
	_ =	sdelay $0x3  }
0x34: {  	[smem:$0x3FAF] =	sst s10  }
0x35: {  	s10 =	sld [smem:$0x3FAE];
	_ =	sdelay $0x3  }
0x36: {  	p1 =	seq.s32 s10, $0x1;
	s10 =	sld [smem:$0x3FAF];
	_ =	sdelay $0x3  }
0x37: {  	[smem:$0x3FAF] =	sst s10  }
0x38: {  	s10 =	sld [smem:$0x3FB0]  }
0x39: {  	_ = 	snop;
	(pc) =	sbr.ind lr, $3  }
0x3a: {  	_ = 	snop  }
0x3b: {  	_ = 	snop  }
0x3c: {  	p2 =	seq.s32 s10, $0x1;
	s10 =	sld [smem:$0x3FAF]  }
0x3d: {  	_ =	shalt  }
0x3e: {  	_ =	shalt  }
0x3f: {  	_ =	shalt  }
0x40: {  	_ =	shalt  }
0x41: {  	_ =	shalt  }
0x42: {  	_ =	shalt  }
0x43: {  	_ =	shalt  }
0x44: {  	_ =	shalt  }
0x45: {  	_ =	shalt  }
0x46: {  	_ =	shalt  }
0x47: {  	_ =	shalt  }
0x48: {  	_ =	shalt  }
0x49: {  	_ =	shalt  }
0x4a: {  	_ =	shalt  }
0x4b: {  	_ =	shalt  }
0x4c: {  	_ =	shalt  }
0x4d: {  	_ =	shalt  }
0x4e: {  	_ =	shalt  }
0x4f: {  	_ =	shalt  }
0x50: {  	_ =	shalt  }
0x51: {  	_ =	shalt  }
0x52: {  	_ =	shalt  }
0x53: {  	_ =	shalt  }
0x54: {  	_ =	shalt  }
0x55: {  	_ =	shalt  }
0x56: {  	_ =	shalt  }
0x57: {  	_ =	shalt  }
0x58: {  	_ =	shalt  }
0x59: {  	_ =	shalt  }
0x5a: {  	_ =	shalt  }
0x5b: {  	_ =	shalt  }
0x5c: {  	_ =	shalt  }
0x5d: {  	_ =	shalt  }
0x5e: {  	_ =	shalt  }
0x5f: {  	_ =	shalt  }
0x60: {  	_ =	shalt  }
0x61: {  	_ =	shalt  }
0x62: {  	_ =	shalt  }
0x63: {  	_ =	shalt  }
0x64: {  	_ =	shalt  }
0x65: {  	_ =	shalt  }
0x66: {  	_ =	shalt  }
0x67: {  	_ =	shalt  }
0x68: {  	_ =	shalt  }
0x69: {  	_ =	shalt  }
0x6a: {  	_ =	shalt  }
0x6b: {  	_ =	shalt  }
0x6c: {  	_ =	shalt  }
0x6d: {  	_ =	shalt  }
0x6e: {  	_ =	shalt  }
0x6f: {  	_ =	shalt  }
0x70: {  	_ =	shalt  }
0x71: {  	_ =	shalt  }
0x72: {  	_ =	shalt  }
0x73: {  	_ =	shalt  }
0x74: {  	_ =	shalt  }
0x75: {  	_ =	shalt  }
0x76: {  	_ =	shalt  }
0x77: {  	_ =	shalt  }
0x78: {  	_ =	shalt  }
0x79: {  	_ =	shalt  }
0x7a: {  	_ =	shalt  }
0x7b: {  	_ =	shalt  }
0x7c: {  	_ =	shalt  }
0x7d: {  	_ =	shalt  }
0x7e: {  	_ =	shalt  }
0x7f: {  	_ =	shalt  }
0x80: {  	_ =	shalt  }
0x81: {  	_ =	shalt  }
0x82: {  	_ =	shalt  }
0x83: {  	_ =	shalt  }
0x84: {  	_ =	shalt  }
0x85: {  	_ =	shalt  }
0x86: {  	_ =	shalt  }
0x87: {  	_ =	shalt  }
.Lfunc_end0:
.L_simem_size_0:
called_computation_lowered:
.L_overlay_start_0:
0x88: {  	s2 =	sld [smem:$0x3FD9]  }
0x89: {  	s3 =	sld [smem:$0x3FFE];
	_ =	sdelay $0x1  }
0x8a: {  	s1 =	srdreg.scid  }
0x8b: {  	s0 =	sand.u32 $0x1, s1  }
0x8c: {  	s17 =	sshll.u32 s0, $0xA;
	s2 =	sadd.s32 s3, s2  }
0x8d: {  	s2 =	sadd.s32 s2, s17  }
0x8e: {  	[smem:$0x3FBB] =	sst s2  }
0x8f: {  	_ = 	snop  }
0x90: {  	(tm) =	ssettm $0x1  }
0x91: {  	s18 =	sld [smem:$0x3FFB];
	_ =	sdelay $0x3  }
0x92: {  	_ =	strace s18  }
0x93: {  	s2 =	sld [smem:$0x3FFC];
	_ =	sdelay $0x3  }
0x94: {  	_ =	strace s2  }
0x95: {  	s2 =	sld [smem:$0x3FFD];
	_ =	sdelay $0x3  }
0x96: {  	_ =	strace s2  }
0x97: {  	_ =	strace $0x8FFFFFFF  }
0x98: {  	s19 =	sld [smem:$0x3FDB];
	_ =	sdelay $0x1  }
0x99: {  	s20 =	simm.s32 $_scs_section_size  }
0x9a: {  	s4 =	simm.s32 $_size__tile_overlayer_lowered;
	s5 =	simm.s32 $_tile_overlayer_lowered  }
0x9b: {  	s6 =	simm.s32 $0x1BFF;
	s21 =	sshll.u32 s5, $0x1;
	s3 =	sadd.s32 s20, s19  }
0x9c: {  	s22 =	simm.s32 $0x0;
	s4 =	sshll.u32 s4, $0x1;
	s5 =	sadd.s32 s21, s3  }
0x9d: {  	[timem:s22], [sflag:s6] =	dma.local [hbm:s5], s4  }
0x9e: {  	_ =	swait.ge [sflag:s6], s4  }
0x9f: {  	s4 =	ssub.s32 $0x0, s4;
	[sflag:s6] =	ssyncset.done $0x0  }
0xa0: {  	[sflag:s6] =	ssyncadd.s32 s4;
	_ =	sdelay $0x1  }
0xa1: {  	s23 =	simm.s32 $0x1B8B  }
0xa2: {  	_ =	swait.ge [sflag:s23], $0x1  }
0xa3: {  	[sflag:s23] =	ssyncset.done $0x0  }
0xa4: {  	[sflag:s23] =	ssyncadd.s32 $0xFFFFFFFF  }
0xa5: {  	s4 =	sld [smem:$0x0]  }
0xa6: {  	s5 =	sand.u32 $0xFFFFFFFE, s1  }
0xa7: {  	p0 =	sne.s32 s1, s5  }
0xa8: {  	s5 =	sshll.u32 @p0 s5, $0xE  }
0xa9: {  	s5 =	sadd.s32 @p0 $0x11B8D, s5;
	s6 =	sshll.u32 @p0 s4, $0x11  }
0xaa: {  	s5 =	sor.u32 @p0 s6, s5  }
0xab: {  	[sflag:s5] =	ssyncadd.remote.s32 @p0 $0x1;
	_ =	sdelay $0x1  }
0xac: {  	s5 =	simm.s32 @p0 $0x1B8D  }
0xad: {  	_ =	swait.eq @p0 [sflag:s5], $0x1  }
0xae: {  	[sflag:s5] =	ssyncadd.s32 @p0 $0xFFFFFFFF  }
0xaf: {  	s6 =	sshll.u32 @!p0 s1, $0xE  }
0xb0: {  	s6 =	sor.u32 @!p0 $0x4000, s6;
	s5 =	simm.s32 @!p0 $0x1B8D  }
0xb1: {  	s4 =	sshll.u32 @!p0 s4, $0x11;
	s6 =	sadd.s32 @!p0 $0x11B8D, s6;
	_ =	swait.eq @!p0 [sflag:s5], $0x1  }
0xb2: {  	s4 =	sor.u32 @!p0 s4, s6;
	[sflag:s5] =	ssyncadd.s32 @!p0 $0xFFFFFFFF  }
0xb3: {  	s25 =	simm.s32 $0x1B8E;
	s24 =	sld [smem:$0x3FFE];
	[sflag:s4] =	ssyncadd.remote.s32 @!p0 $0x1  }
0xb4: {  	s26 =	simm.s32 $execute0_lowered;
	[smem:$0x3FD2] =	sst s25  }
0xb5: {  	s5 =	sshll.u32 s26, $0x1;
	_ =	strace $0x80000049;
	[dreg:$0x1] =	wrdreg $0xFFFFFFFF  }
0xb6: {  	s28 =	simm.s32 $_size_execute0_lowered;
	s3 =	sadd.s32 s3, s5;
	[dreg:$0x0] =	wrdreg $0x0  }
0xb7: {  	s5 =	sshll.u32 s28, $0x1;
	[dreg:$0x2] =	wrdreg s3  }
0xb8: {  	[dreg:$0x3] =	wrdreg s5  }
0xb9: {  	[dreg:$0x4] =	wrdreg $0xC0  }
0xba: {  	_ =	task [dreg:s22], $0x5FFFF  }
0xbb: {  	[dreg:$0x1] =	wrdreg $0xFFFFFFFF  }
0xbc: {  	[dreg:$0x0] =	wrdreg $0x60  }
0xbd: {  	[dreg:$0x2] =	wrdreg s24  }
0xbe: {  	[dreg:$0x3] =	wrdreg $0x0  }
0xbf: {  	[dreg:$0x4] =	wrdreg $0x9  }
0xc0: {  	_ =	task.clear_ibuf [dreg:s22], $0x5FFFF;
	_ =	strace $0x90000049  }
0xc1: {  	s29 =	simm.s32 $0x9;
	_ =	strace $0x8000004B  }
0xc2: {  	_ =	swait.ge [sflag:s29], $0x1  }
0xc3: {  	[sflag:s29] =	ssyncadd.s32 $0xFFFFFFFF  }
0xc4: {  	_ =	strace $0x9000004B  }
0xc5: {  	_ =	sfence  }
0xc6: {  	s30 =	sld [smem:$0x0];
	_ =	sdelay $0x2  }
0xc7: {  	s31 =	sshll.u32 s1, $0xD;
	s1 =	sshrl.u32 s1, $0x2  }
0xc8: {  	s4 =	sand.u32 $0x4000, s31;
	s1 =	sadd.s32 s1, s30  }
0xc9: {  	s0 =	sor.u32 s4, s0;
	s1 =	sshll.u32 s1, $0x11  }
0xca: {  	s0 =	sor.u32 s1, s0  }
0xcb: {  	s0 =	sadd.s32 $0x8F2B, s0  }
0xcc: {  	[sflag:s0] =	ssyncadd.remote.s32 $0x1  }
0xcd: {  	_ =	sfence.sel $0xFFFF  }
0xce: {  	[dreg:$0x0] =	wrdreg $0xFFFFFFFF;
	(pc) =	sbr.abs _section_cstart, $3  }
0xcf: {  	[dreg:$0x1] =	wrdreg $0xFFFFFFFF  }
0xd0: {  	_ =	task.clear_ibuf [dreg:s22], $0x2FFFF;
	_ =	strace $0x9FFFFFFF  }
0xd1: {  	(tm) =	ssettm $0x7FFFFFFF  }
tec
execute0_lowered:
.L_overlay_start_1:
0x0: {  	(tag) =	ssettag $0x1  }
0x1: {  	s7 =	rddreg [dreg:$0x0]  }
0x2: {  	s1 =	rddreg [dreg:$0x1]  }
0x3: {  	s0 =	rddreg [dreg:$0x2];
	s3 =	simm.s32 $0x0;
	s5 =	srdreg.scid  }
0x4: {  	s2 =	stileid.u32;
	s16 =	simm.s32 $0x3E8;
	s17 =	simm.s32 $0x10  }
0x5: {  	s18 =	simm.s32 $0x0;
	[smem:$0x7FF] =	sst s3;
	s9 =	smul.u32 $0xC3800, s2  }
0x6: {  	s8 =	sand.u32 $0x1, s5;
	s5 =	sadd.s32 $0x373400, s7;
	s11 =	smul.u32 $0xC380, s2  }
0x7: {  	s4 =	sadd.s32 $0x3800, s7;
	s6 =	sadd.s32 $0x4F9E00, s7;
	s29 =	smul.u32 $0xC350, s2  }
0x8: {  	s31 =	sshll.u32 s2, $0x6;
	_ =	strace $0x8000004A;
	s10 =	sshll.u32 s8, $0x4  }
0x9: {  	s28 =	ssub.s32 $0x2, s8;
	s13 =	smul.u32 $0xC3500, s8;
	s8 =	sor.u32 $0x1C01, s31  }
0xa: {  	s9 =	sor.u32 s10, s9;
	s12 =	sshrl.u32 s28, $0x1;
	s15 =	sadd.s32 s11, s1  }
0xb: {  	s30 =	sshrl.u32 s11, $0x3;
	s9 =	sshrl.u32 s9, $0x3;
	s12 =	ssub.s32 s28, s12  }
0xc: {  	s14 =	sadd.s32 s9, s7;
	s7 =	sadd.s32 s6, s30;
	s9 =	sadd.s32 s29, s13  }
0xd: {  	s11 =	smax.u32 s12, $0x1;
	s12 =	sshrl.u32 s15, $0x3;
	s13 =	simm.s32 $0x1  }
0xe: {  	s15 =	simm.s32 $0xC380;
	s10 =	sadd.s32 $0x512600, s14;
	s14 =	simm.s32 $0xC768  }
.LBB2_1:
0xf: {  	[spmem:s12], [sflag:s8] =	dma.local [hbm:s7], $0x1870  }
0x10: {  	_ =	swait.ge [sflag:s13], $0x1870  }
0x11: {  	[sflag:s13] =	ssyncset.done $0x0  }
0x12: {  	[sflag:s13] =	ssyncadd.s32 $0xFFFFE790  }
0x13: {  	[tilespmem:s14], [sflag:$0x1] =	stream.linear.gather [hbm4b:s6+s3], $0x1F40, $0x38;
	[tilespmem:$0xE6A8] =	vst v63  }
0x14: {  	_ =	swait.ge [sflag:s13], $0x1F40  }
0x15: {  	[sflag:s13] =	ssyncset.done $0x0  }
0x16: {  	[sflag:s13] =	ssyncadd.s32 $0xFFFFE0C0  }
0x17: {  	s19 =	simm.s32 $0x0;
	[bflag:$0x0] =	sbarrier.arrive $0xFFFF  }
.LBB2_2:
0x18: {  	s20 =	smul.u32 $0x3E8, s19;
	_ =	sdelay $0x1  }
0x19: {  	s20 =	sadd.s32 s20, s9  }
0x1a: {  	s22 =	simm.s32 $0xC768;
	s21 =	sadd.s32 s5, s20  }
0x1b: {  	s23 =	simm.s32 $0x1;
	s24 =	simm.s32 $0xC770;
	s25 =	sadd.s32 $0x0, s21  }
.LBB2_3:
0x1c: {  	[tilespmem:s22], [sflag:$0x1] =	stream.linear.gather [hbm4b:s25+s3], $0x4, $0x38;
	[tilespmem:$0xE6A8] =	vst v63  }
0x1d: {  	s25 =	smov.u32 s23;
	s22 =	smov.u32 s24;
	p0 =	sne.s32 s23, $0x3E7  }
.Ltmp0:
0x1e: {  	s23 =	sadd.s32 $0x1, s23;
	(pc) =	sbr.rel @p0 .LBB2_3-.Ltmp0, $2  }
0x1f: {  	_ =	sdelay $0x2  }
0x20: {  	s24 =	sadd.s32 $0x8, s24;
	s25 =	sadd.s32 s25, s21  }
0x21: {  	[tilespmem:s22], [sflag:$0x1] =	stream.linear.gather [hbm4b:s25+s3], $0x4, $0x38;
	[tilespmem:$0xE6A8] =	vst v63  }
0x22: {  	s20 =	sshrl.u32 s20, $0x3;
	_ =	swait.ge [sflag:s13], $0xFA0  }
0x23: {  	s20 =	sadd.s32 s4, s20;
	[sflag:s13] =	ssyncset.done $0x0  }
0x24: {  	s20 =	sadd.s32 $0x30D40, s20;
	[sflag:s13] =	ssyncadd.s32 $0xFFFFF060  }
0x25: {  	[tilespmem:s15], [sflag:$0x1] =	stream.linear.gather [hbm4b:s20+s3], $0x3E8, $0x38;
	[tilespmem:$0xE6A8] =	vst v63  }
0x26: {  	s19 =	sadd.s32 $0x1, s19;
	_ =	swait.ge [sflag:s13], $0x3E8  }
0x27: {  	p0 =	sne.s32 s19, $0x32;
	[sflag:s13] =	ssyncset.done $0x0  }
.Ltmp1:
0x28: {  	[sflag:s13] =	ssyncadd.s32 $0xFFFFFC18;
	(pc) =	sbr.rel @p0 .LBB2_2-.Ltmp1, $4  }
0x29: {  	[spmem:s1] =	stream.indirect.scatter.add.f32 [tilespmem:s14], [sflag:$0x1], $0x8, s15, s16, $0xb8;
	[tilespmem:$0xE6A8] =	vst v63  }
0x2a: {  	_ =	swait.ge [sflag:s13], $0x1F40  }
0x2b: {  	[sflag:s13] =	ssyncset.done $0x0  }
0x2c: {  	[sflag:s13] =	ssyncadd.s32 $0xFFFFE0C0  }
0x2d: {  	s18 =	sadd.s32 $0x1, s18  }
0x2e: {  	p0 =	sne.s32 s18, s11  }
.Ltmp2:
0x2f: {  	[bflag:$0x0] =	sbarrier.arrive $0xFFFF;
	(pc) =	sbr.rel @p0 .LBB2_1-.Ltmp2, $4  }
0x30: {  	[hbm:s10@s17], [sflag:s8] =	dma.strided [spmem:s12@s13], $0x1870, s13, $0x1   }
0x31: {  	_ =	swait.ge [sflag:s13], $0x1870  }
0x32: {  	[sflag:s13] =	ssyncset.done $0x0  }
0x33: {  	[sflag:s13] =	ssyncadd.s32 $0xFFFFE790  }
0x34: {  	_ =	sfence.sel $0x180000  }
0x35: {  	[bflag:$0x0] =	sbarrier.arrive $0xFFFF  }
0x36: {  	p0 =	sne.s32 s2, $0x0;
	_ =	strace $0x9000004A  }
0x37: {  	s0 =	sadd.s32 @!p0 $0x100000, s0;
	[bflag:$0x2] =	sbarrier.arrive $0xFFFF  }
0x38: {  	[sflag:s0] =	ssyncadd.tile.s32 @!p0 $0x1;
	_ =	shalt  }
.Lfunc_end2:
_tile_overlayer_lowered:
.L_overlay_start_2:
0x39: {  	(tag) =	ssettag $0x2  }
0x3a: {  	s0 =	rddreg [dreg:$0x0];
	s2 =	stileid.u32  }
0x3b: {  	s1 =	rddreg [dreg:$0x1];
	p0 =	sne.s32 s2, $0x0  }
0x3c: {  	s3 =	rddreg [dreg:$0x2];
	[bflag:$0x3] =	sbarrier.arrive $0xFFFF;
	s2 =	simm.s32 @!p0 $0x1C01  }
0x3d: {  	[timem:s3], [sflag:s2] =	dma.local @!p0 [hbm:s0], s1  }
0x3e: {  	s0 =	simm.s32 @!p0 $0x1  }
0x3f: {  	_ =	swait.ge @!p0 [sflag:s0], s1  }
0x40: {  	s1 =	ssub.s32 @!p0 $0x0, s1;
	[sflag:s0] =	ssyncset.done @!p0 $0x0  }
0x41: {  	[sflag:s0] =	ssyncadd.s32 @!p0 s1  }
0x42: {  	[bflag:$0x3] =	sbarrier.arrive $0xFFFF  }
0x43: {  	_ =	shalt  }

// kernel: kernel.9.cloned.1.call-start
scs
__scs_entry_jumppad:
0x0: {  	(pc) =	sbr.rel $0x88, $3  }
0x1: {  	(tag) =	ssettag $0x0;
	lr =	simm.s32 $0x1  }
0x2: {  	[smem:$0x3F94] =	sst lr;
	_ =	strace $0xD0000000  }
0x3: {  	_ = 	snop  }
0x4: {  	_ = 	snop  }
0x5: {  	_ = 	snop  }
0x6: {  	_ = 	snop  }
0x7: {  	_ = 	snop  }
__scs_overlays_trampoline_lowered:
0x8: {  	[smem:$0x3FA3] =	sst s0  }
0x9: {  	[smem:$0x3FA4] =	sst s1  }
0xa: {  	[smem:$0x3FA5] =	sst s2  }
0xb: {  	[smem:$0x3FA6] =	sst s3  }
0xc: {  	[smem:$0x3FA7] =	sst s4  }
0xd: {  	[smem:$0x3FA8] =	sst s5  }
0xe: {  	[smem:$0x3FA9] =	sst s6  }
0xf: {  	[smem:$0x3FAA] =	sst s7  }
0x10: {  	[smem:$0x3FAB] =	sst s8  }
0x11: {  	[smem:$0x3FAC] =	sst s9;
	s0 =	simm.s32 @!p0 $0x0  }
0x12: {  	s1 =	sld [smem:$0x3F92];
	s0 =	simm.s32 @p0 $0x1  }
0x13: {  	[smem:$0x3FAD] =	sst s0;
	s0 =	simm.s32 @!p1 $0x0  }
0x14: {  	s2 =	sld [smem:$0x3F91];
	s0 =	simm.s32 @p1 $0x1  }
0x15: {  	[smem:$0x3FAE] =	sst s0;
	s0 =	simm.s32 @!p2 $0x0  }
0x16: {  	s3 =	sld [smem:$0x3FDB];
	s0 =	simm.s32 @p2 $0x1  }
0x17: {  	s4 =	simm.s32 $0x1BF5;
	[smem:$0x3FB0] =	sst s0  }
0x18: {  	s0 =	sld [smem:$0x3F93];
	_ =	swait.ge [sflag:s4], $0x0  }
0x19: {  	s7 =	sld [smem:$0x3F94]  }
0x1a: {  	s8 =	sadd.s32 $0xFFFFE003, lr  }
0x1b: {  	s9 =	sadd.s32 $0xFFFFFEF7, lr;
	s5 =	simm.s32 $0xFFFFFFFF;
	p2 =	slt.u32 s8, $0xFFFFF086  }
0x1c: {  	p1 =	slt.u32 s9, $0xF7A;
	s5 =	simm.s32 @!p2 $0x0  }
0x1d: {  	s5 =	simm.s32 @p1 $0x1;
	p0 =	seq.s32 s7, s2  }
0x1e: {  	s7 =	smul.u32 @!p0 $0xF7A, s2;
	p2 =	seq.s32 @!p0 s5, $0x0  }
0x1f: {  	s9 =	smul.u32 $0xF7A, s1;
	s8 =	simm.s32 @!p0 $0x1BF5;
	p2 =	por !p2, p0  }
0x20: {  	[sflag:s8] =	ssyncset.s32 @!p0 $0xFFFFF086;
	s6 =	sadd.s32 @!p0 s3, s7;
	s7 =	simm.s32 @!p0 $0x108  }
0x21: {  	s3 =	sadd.s32 s3, s9;
	s6 =	sadd.s32 @!p0 $0x88, s6;
	s7 =	simm.s32 @p2 $0x1082  }
0x22: {  	[simem:s7], [sflag:s8] =	dma.local @!p0 [hbm:s6], $0xF7A  }
0x23: {  	s9 =	sor.u32 $0xD0000000, s2;
	s6 =	simm.s32 $0x108;
	_ =	swait.ge @!p0 [sflag:s8], $0x0  }
0x24: {  	s3 =	sadd.s32 $0x88, s3;
	s6 =	simm.s32 @!p1 $0x1082;
	[sflag:s4] =	ssyncset.s32 $0xFFFFF086  }
0x25: {  	[simem:s6], [sflag:s4] =	dma.local [hbm:s3], $0xF7A  }
0x26: {  	[smem:$0x3F94] =	sst s1;
	(tag) =	ssettag s2;
	_ =	strace s9  }
0x27: {  	s1 =	sld [smem:$0x3FA4]  }
0x28: {  	s2 =	sld [smem:$0x3FA5]  }
0x29: {  	s4 =	sld [smem:$0x3FA7]  }
0x2a: {  	p0 =	seq.s32 s5, $0x0;
	s5 =	sld [smem:$0x3FA8]  }
0x2b: {  	s6 =	sld [smem:$0x3FA9]  }
0x2c: {  	s7 =	sld [smem:$0x3FAA]  }
0x2d: {  	s3 =	simm.s32 $0x108;
	s8 =	sld [smem:$0x3FAB]  }
0x2e: {  	s3 =	simm.s32 @!p0 $0x1082;
	s9 =	sld [smem:$0x3FAC]  }
0x2f: {  	lr =	sadd.s32 s0, s3;
	s0 =	sld [smem:$0x3FA3]  }
0x30: {  	s3 =	sld [smem:$0x3FA6]  }
0x31: {  	[smem:$0x3FAF] =	sst s10  }
0x32: {  	s10 =	sld [smem:$0x3FAD];
	_ =	sdelay $0x3  }
0x33: {  	p0 =	seq.s32 s10, $0x1;
	s10 =	sld [smem:$0x3FAF];
	_ =	sdelay $0x3  }
0x34: {  	[smem:$0x3FAF] =	sst s10  }
0x35: {  	s10 =	sld [smem:$0x3FAE];
	_ =	sdelay $0x3  }
0x36: {  	p1 =	seq.s32 s10, $0x1;
	s10 =	sld [smem:$0x3FAF];
	_ =	sdelay $0x3  }
0x37: {  	[smem:$0x3FAF] =	sst s10  }
0x38: {  	s10 =	sld [smem:$0x3FB0]  }
0x39: {  	_ = 	snop;
	(pc) =	sbr.ind lr, $3  }
0x3a: {  	_ = 	snop  }
0x3b: {  	_ = 	snop  }
0x3c: {  	p2 =	seq.s32 s10, $0x1;
	s10 =	sld [smem:$0x3FAF]  }
0x3d: {  	_ =	shalt  }
0x3e: {  	_ =	shalt  }
0x3f: {  	_ =	shalt  }
0x40: {  	_ =	shalt  }
0x41: {  	_ =	shalt  }
0x42: {  	_ =	shalt  }
0x43: {  	_ =	shalt  }
0x44: {  	_ =	shalt  }
0x45: {  	_ =	shalt  }
0x46: {  	_ =	shalt  }
0x47: {  	_ =	shalt  }
0x48: {  	_ =	shalt  }
0x49: {  	_ =	shalt  }
0x4a: {  	_ =	shalt  }
0x4b: {  	_ =	shalt  }
0x4c: {  	_ =	shalt  }
0x4d: {  	_ =	shalt  }
0x4e: {  	_ =	shalt  }
0x4f: {  	_ =	shalt  }
0x50: {  	_ =	shalt  }
0x51: {  	_ =	shalt  }
0x52: {  	_ =	shalt  }
0x53: {  	_ =	shalt  }
0x54: {  	_ =	shalt  }
0x55: {  	_ =	shalt  }
0x56: {  	_ =	shalt  }
0x57: {  	_ =	shalt  }
0x58: {  	_ =	shalt  }
0x59: {  	_ =	shalt  }
0x5a: {  	_ =	shalt  }
0x5b: {  	_ =	shalt  }
0x5c: {  	_ =	shalt  }
0x5d: {  	_ =	shalt  }
0x5e: {  	_ =	shalt  }
0x5f: {  	_ =	shalt  }
0x60: {  	_ =	shalt  }
0x61: {  	_ =	shalt  }
0x62: {  	_ =	shalt  }
0x63: {  	_ =	shalt  }
0x64: {  	_ =	shalt  }
0x65: {  	_ =	shalt  }
0x66: {  	_ =	shalt  }
0x67: {  	_ =	shalt  }
0x68: {  	_ =	shalt  }
0x69: {  	_ =	shalt  }
0x6a: {  	_ =	shalt  }
0x6b: {  	_ =	shalt  }
0x6c: {  	_ =	shalt  }
0x6d: {  	_ =	shalt  }
0x6e: {  	_ =	shalt  }
0x6f: {  	_ =	shalt  }
0x70: {  	_ =	shalt  }
0x71: {  	_ =	shalt  }
0x72: {  	_ =	shalt  }
0x73: {  	_ =	shalt  }
0x74: {  	_ =	shalt  }
0x75: {  	_ =	shalt  }
0x76: {  	_ =	shalt  }
0x77: {  	_ =	shalt  }
0x78: {  	_ =	shalt  }
0x79: {  	_ =	shalt  }
0x7a: {  	_ =	shalt  }
0x7b: {  	_ =	shalt  }
0x7c: {  	_ =	shalt  }
0x7d: {  	_ =	shalt  }
0x7e: {  	_ =	shalt  }
0x7f: {  	_ =	shalt  }
0x80: {  	_ =	shalt  }
0x81: {  	_ =	shalt  }
0x82: {  	_ =	shalt  }
0x83: {  	_ =	shalt  }
0x84: {  	_ =	shalt  }
0x85: {  	_ =	shalt  }
0x86: {  	_ =	shalt  }
0x87: {  	_ =	shalt  }
.Lfunc_end0:
.L_simem_size_0:
called_computation.1_lowered:
.L_overlay_start_0:
0x88: {  	s2 =	sld [smem:$0x3FD9]  }
0x89: {  	s3 =	sld [smem:$0x3FFE];
	_ =	sdelay $0x1  }
0x8a: {  	s1 =	srdreg.scid  }
0x8b: {  	s0 =	sand.u32 $0x1, s1  }
0x8c: {  	s14 =	sshll.u32 s0, $0xA;
	s2 =	sadd.s32 s3, s2  }
0x8d: {  	s2 =	sadd.s32 s2, s14  }
0x8e: {  	[smem:$0x3FBB] =	sst s2  }
0x8f: {  	_ = 	snop  }
0x90: {  	s2 =	sld [smem:$0x3FD0];
	_ =	sdelay $0x2  }
0x91: {  	s15 =	simm.s32 $0xB;
	s4 =	simm.s32 $0x10  }
0x92: {  	[smem:s4], [sflag:s15] =	dma.local [hbm:s2], $0x1  }
0x93: {  	_ =	swait.eq [sflag:s15], $0x1  }
0x94: {  	[sflag:s15] =	ssyncset.done $0x0  }
0x95: {  	[sflag:s15] =	ssyncadd.s32 $0xFFFFFFFF  }
0x96: {  	s16 =	sld [smem:$0x11];
	(tm) =	ssettm $0x1  }
0x97: {  	s17 =	sld [smem:$0x3FFB];
	_ =	sdelay $0x3  }
0x98: {  	_ =	strace s17  }
0x99: {  	s3 =	sld [smem:$0x3FFC];
	_ =	sdelay $0x3  }
0x9a: {  	_ =	strace s3  }
0x9b: {  	s3 =	sld [smem:$0x3FFD];
	_ =	sdelay $0x3  }
0x9c: {  	_ =	strace s3  }
0x9d: {  	_ =	strace $0x8FFFFFFF  }
0x9e: {  	s18 =	sld [smem:$0x3FDB];
	_ =	sdelay $0x1  }
0x9f: {  	s19 =	simm.s32 $_scs_section_size  }
0xa0: {  	s5 =	simm.s32 $_size__tile_overlayer_lowered;
	s6 =	simm.s32 $_tile_overlayer_lowered  }
0xa1: {  	s22 =	simm.s32 $0x1BFF;
	s21 =	sshll.u32 s6, $0x1;
	s3 =	sadd.s32 s19, s18  }
0xa2: {  	s7 =	simm.s32 $0x0;
	s20 =	sshll.u32 s5, $0x1;
	s5 =	sadd.s32 s21, s3  }
0xa3: {  	[timem:s7], [sflag:s22] =	dma.local [hbm:s5], s20  }
0xa4: {  	_ =	swait.ge [sflag:s22], s20  }
0xa5: {  	s4 =	ssub.s32 $0x0, s20;
	[sflag:s22] =	ssyncset.done $0x0  }
0xa6: {  	[sflag:s22] =	ssyncadd.s32 s4;
	_ =	sdelay $0x1  }
0xa7: {  	s23 =	simm.s32 $0x1B8B  }
0xa8: {  	_ =	swait.ge [sflag:s23], $0x1  }
0xa9: {  	[sflag:s23] =	ssyncset.done $0x0  }
0xaa: {  	s25 =	simm.s32 $0x1B8E;
	s24 =	sld [smem:$0x3FFE];
	[sflag:s23] =	ssyncadd.s32 $0xFFFFFFFF  }
0xab: {  	s26 =	simm.s32 $execute0_lowered;
	[smem:$0x3FD2] =	sst s25  }
0xac: {  	s5 =	sshll.u32 s26, $0x1;
	_ =	strace $0x80000046;
	[dreg:$0x1] =	wrdreg $0xFFFFFFFF  }
0xad: {  	s28 =	simm.s32 $_size_execute0_lowered;
	s3 =	sadd.s32 s3, s5;
	[dreg:$0x0] =	wrdreg $0x0  }
0xae: {  	s5 =	sshll.u32 s28, $0x1;
	[dreg:$0x2] =	wrdreg s3  }
0xaf: {  	[dreg:$0x3] =	wrdreg s5  }
0xb0: {  	[dreg:$0x4] =	wrdreg $0xC0  }
0xb1: {  	_ =	task [dreg:s7], $0x5FFFF  }
0xb2: {  	[dreg:$0x1] =	wrdreg $0xFFFFFFFF  }
0xb3: {  	[dreg:$0x0] =	wrdreg $0x60  }
0xb4: {  	[dreg:$0x2] =	wrdreg s24  }
0xb5: {  	[dreg:$0x3] =	wrdreg s16  }
0xb6: {  	[dreg:$0x4] =	wrdreg $0x0  }
0xb7: {  	[dreg:$0x5] =	wrdreg $0xA  }
0xb8: {  	_ =	task.clear_ibuf [dreg:s7], $0x6FFFF;
	_ =	strace $0x90000046  }
0xb9: {  	s29 =	simm.s32 $0xA;
	_ =	strace $0x80000048  }
0xba: {  	_ =	swait.ge [sflag:s29], $0x1  }
0xbb: {  	[sflag:s29] =	ssyncadd.s32 $0xFFFFFFFF  }
0xbc: {  	_ =	strace $0x90000048  }
0xbd: {  	_ =	sfence  }
0xbe: {  	s30 =	sld [smem:$0x0];
	_ =	sdelay $0x2  }
0xbf: {  	s31 =	sshll.u32 s1, $0xD;
	s1 =	sshrl.u32 s1, $0x2  }
0xc0: {  	s3 =	sand.u32 $0x4000, s31;
	s1 =	sadd.s32 s1, s30  }
0xc1: {  	s0 =	sor.u32 s3, s0;
	s1 =	sshll.u32 s1, $0x11  }
0xc2: {  	s0 =	sor.u32 s1, s0  }
0xc3: {  	s0 =	sadd.s32 $0x8F2B, s0  }
0xc4: {  	[sflag:s0] =	ssyncadd.remote.s32 $0x1  }
0xc5: {  	_ =	sfence.sel $0xFFFF  }
0xc6: {  	[dreg:$0x0] =	wrdreg $0xFFFFFFFF;
	(pc) =	sbr.abs _section_cstart, $3  }
0xc7: {  	[dreg:$0x1] =	wrdreg $0xFFFFFFFF  }
0xc8: {  	_ =	task.clear_ibuf [dreg:s7], $0x2FFFF;
	_ =	strace $0x9FFFFFFF  }
0xc9: {  	(tm) =	ssettm $0x7FFFFFFF  }
tec
execute0_lowered:
.L_overlay_start_1:
0x0: {  	(tag) =	ssettag $0x1  }
0x1: {  	s6 =	rddreg [dreg:$0x0]  }
0x2: {  	s7 =	rddreg [dreg:$0x1]  }
0x3: {  	s2 =	rddreg [dreg:$0x2]  }
0x4: {  	s0 =	rddreg [dreg:$0x3]  }
0x5: {  	s3 =	simm.s32 $0x0;
	s4 =	srdreg.scid;
	s1 =	stileid.u32  }
0x6: {  	s14 =	simm.s32 $0x18A20;
	s15 =	simm.s32 $0x320;
	s17 =	simm.s32 $0x1  }
0x7: {  	s18 =	simm.s32 $0x10;
	[smem:$0x7FF] =	sst s3;
	s5 =	smul.u32 $0xC3800, s1  }
0x8: {  	s16 =	sand.u32 $0x1, s4;
	s4 =	sadd.s32 $0x65400, s6;
	s10 =	smul.u32 $0x18700, s1  }
0x9: {  	s31 =	sshll.u32 s1, $0x6;
	_ =	strace $0x80000047;
	s8 =	sshll.u32 s16, $0x4  }
0xa: {  	s9 =	ssub.s32 $0x2, s16;
	v0 =	vmov s16;
	s16 =	simm.s32 $0x18D40;
	s8 =	sor.u32 s8, s5  }
0xb: {  	s5 =	sadd.s32 $0x3800, s6;
	s11 =	sshrl.u32 s9, $0x1;
	s30 =	sshrl.u32 s10, $0x3  }
0xc: {  	s13 =	sadd.s32 s10, s2;
	s8 =	sshrl.u32 s8, $0x3;
	s11 =	ssub.s32 s9, s11  }
0xd: {  	s12 =	sadd.s32 s8, s6;
	s6 =	sadd.s32 s7, s30;
	s7 =	sor.u32 $0x1C02, s31  }
0xe: {  	s8 =	smul.u32 $0x186A0, s1;
	s10 =	smax.u32 s11, $0x1;
	s11 =	sshrl.u32 s13, $0x3  }
0xf: {  	s13 =	simm.s32 $0x18700;
	s9 =	sadd.s32 $0x1EC400, s12;
	s12 =	simm.s32 $0x2  }
.LBB2_1:
0x10: {  	[spmem:s11], [sflag:s7] =	dma.local [hbm:s6], $0x30E0  }
0x11: {  	_ =	swait.ge [sflag:s12], $0x30E0  }
0x12: {  	[sflag:s12] =	ssyncset.done $0x0  }
0x13: {  	[sflag:s12] =	ssyncadd.s32 $0xFFFFCF20  }
0x14: {  	s19 =	simm.s32 $0x0;
	[bflag:$0x0] =	sbarrier.arrive $0xFFFF  }
.LBB2_2:
0x15: {  	s20 =	smul.u32 $0x320, s19;
	_ =	sdelay $0x1  }
0x16: {  	s20 =	sadd.s32 s8, s20  }
0x17: {  	s20 =	sshrl.u32 s20, $0x3  }
0x18: {  	s21 =	simm.s32 $0x0;
	s20 =	sadd.s32 s5, s20  }
0x19: {  	[tilespmem:s13], [sflag:$0x2] =	stream.linear.gather [hbm4b:s20+s21], $0x320, $0x38;
	[tilespmem:$0x1BF40] =	vst v63  }
0x1a: {  	_ =	swait.ge [sflag:s12], $0x320  }
0x1b: {  	[sflag:s12] =	ssyncset.done $0x0  }
0x1c: {  	s20 =	sadd.s32 $0x30D40, s20;
	[sflag:s12] =	ssyncadd.s32 $0xFFFFFCE0  }
0x1d: {  	[tilespmem:s14], [sflag:$0x2] =	stream.linear.gather [hbm4b:s20+s21], $0x320, $0x38;
	[tilespmem:$0x1BF40] =	vst v63  }
0x1e: {  	_ =	swait.ge [sflag:s12], $0x320  }
0x1f: {  	[sflag:s12] =	ssyncset.done $0x0  }
0x20: {  	s20 =	simm.s32 $0x0;
	s21 =	simm.s32 $0x40;
	[sflag:s12] =	ssyncadd.s32 $0xFFFFFCE0  }
.LBB2_3:
0x21: {  	p0 =	sne.s32 s21, $0xC40;
	v1 =	vld [tilespmem:s20+$0x18700];
	_ =	sdelay $0x2  }
.Ltmp0:
0x22: {  	(pc) =	sbr.rel @p0 .LBB2_3-.Ltmp0, $4  }
0x23: {  	_ = 	snop  }
0x24: {  	v1 =	vshll.u32 v1, $0x3  }
0x25: {  	v1 =	vor.u32 v0, v1  }
0x26: {  	[tilespmem:s20+$0x18700] =	vst v1;
	s20 =	sshra.s32 s21, $0x2;
	s21 =	sadd.s32 $0x40, s21  }
0x27: {  	v1 =	vld [tilespmem:s20+$0x18700];
	_ =	sdelay $0x4  }
0x28: {  	v1 =	vshll.u32 v1, $0x3  }
0x29: {  	v1 =	vor.u32 v0, v1  }
0x2a: {  	[tilespmem:s20+$0x18700] =	vst v1  }
0x2b: {  	[tilespmem:s16], [sflag:$0x1] =	stream.indirect.gather [hbm4b:s4+s15], $0x10, s13, s15, $0xb8;
	[tilespmem:$0x1BF40] =	vst v63  }
0x2c: {  	s19 =	sadd.s32 $0x1, s19;
	_ =	swait.ge [sflag:s17], $0x3200  }
0x2d: {  	p0 =	sne.s32 s19, $0x7D;
	[sflag:s17] =	ssyncset.done $0x0  }
.Ltmp1:
0x2e: {  	[sflag:s17] =	ssyncadd.s32 $0xFFFFCE00;
	(pc) =	sbr.rel @p0 .LBB2_2-.Ltmp1, $4  }
0x2f: {  	[spmem:s2] =	stream.indirect.scatter.add.f32 [tilespmem:s16], [sflag:$0x2], $0x10, s14, s15, $0xb8;
	[tilespmem:$0x1BF40] =	vst v63  }
0x30: {  	_ =	swait.ge [sflag:s12], $0x3200  }
0x31: {  	[sflag:s12] =	ssyncset.done $0x0  }
0x32: {  	[sflag:s12] =	ssyncadd.s32 $0xFFFFCE00  }
0x33: {  	s3 =	sadd.s32 $0x1, s3  }
0x34: {  	p0 =	sne.s32 s3, s10  }
.Ltmp2:
0x35: {  	[bflag:$0x0] =	sbarrier.arrive $0xFFFF;
	(pc) =	sbr.rel @p0 .LBB2_1-.Ltmp2, $4  }
0x36: {  	[hbm:s9@s18], [sflag:s7] =	dma.strided [spmem:s11@s12], $0x30E0, s17, $0x2   }
0x37: {  	_ =	swait.ge [sflag:s12], $0x30E0  }
0x38: {  	[sflag:s12] =	ssyncset.done $0x0  }
0x39: {  	[sflag:s12] =	ssyncadd.s32 $0xFFFFCF20  }
0x3a: {  	_ =	sfence.sel $0x180000  }
0x3b: {  	[bflag:$0x0] =	sbarrier.arrive $0xFFFF  }
0x3c: {  	p0 =	sne.s32 s1, $0x0;
	_ =	strace $0x90000047  }
0x3d: {  	s0 =	sadd.s32 @!p0 $0x100000, s0;
	[bflag:$0x2] =	sbarrier.arrive $0xFFFF  }
0x3e: {  	[sflag:s0] =	ssyncadd.tile.s32 @!p0 $0x1;
	_ =	shalt  }
.Lfunc_end2:
_tile_overlayer_lowered:
.L_overlay_start_2:
0x3f: {  	(tag) =	ssettag $0x2  }
0x40: {  	s0 =	rddreg [dreg:$0x0];
	s2 =	stileid.u32  }
0x41: {  	s1 =	rddreg [dreg:$0x1];
	p0 =	sne.s32 s2, $0x0  }
0x42: {  	s3 =	rddreg [dreg:$0x2];
	[bflag:$0x3] =	sbarrier.arrive $0xFFFF;
	s2 =	simm.s32 @!p0 $0x1C02  }
0x43: {  	[timem:s3], [sflag:s2] =	dma.local @!p0 [hbm:s0], s1  }
0x44: {  	s0 =	simm.s32 @!p0 $0x2  }
0x45: {  	_ =	swait.ge @!p0 [sflag:s0], s1  }
0x46: {  	s1 =	ssub.s32 @!p0 $0x0, s1;
	[sflag:s0] =	ssyncset.done @!p0 $0x0  }
0x47: {  	[sflag:s0] =	ssyncadd.s32 @!p0 s1  }
0x48: {  	[bflag:$0x3] =	sbarrier.arrive $0xFFFF  }
0x49: {  	_ =	shalt  }

</sc_bundles>
